<compile_context>
chip_gen: v7x
topology: tpu7x:2x2x1
jax: 0.10.2.dev20260603
libtpu: 0.0.44.dev20260713+nightly
codegen_flags: <defaults>
</compile_context>

<pallas_src>
import functools

import jax
import jax.numpy as jnp
from jax import lax
from jax.experimental import pallas as pl
from jax.experimental.pallas import tpu as pltpu
from jax.experimental.pallas import tpu_sc as plsc

VOCAB = 1000000
DIM = 64
BATCH = 4096
SEQ = 200
NUM_CLASSES = 2

NUM_CORES = 2
NUM_SUBCORES = 16
NUM_WORKERS = NUM_CORES * NUM_SUBCORES
ELEMS_PER_WORKER = BATCH // NUM_WORKERS
IDX_SPLIT = 2
IDX_ROW = SEQ // IDX_SPLIT
IDX_ROWS_PER_WORKER = ELEMS_PER_WORKER * IDX_SPLIT
LANES = 16
NCHUNK = DIM // LANES
UNROLL = 8


def _sc_pool_kernel(x_hbm, embed_hbm, out_hbm, idx_v, buf0, buf1, out_v,
                    sem0, sem1):
    wid = lax.axis_index("s") * NUM_CORES + lax.axis_index("c")

    pltpu.sync_copy(x_hbm.at[pl.ds(wid * IDX_ROWS_PER_WORKER,
                                   IDX_ROWS_PER_WORKER)], idx_v)

    def issue(e, buf, sem):
        r = e * IDX_SPLIT
        pltpu.async_copy(embed_hbm.at[idx_v.at[r]],
                         buf.at[pl.ds(0, IDX_ROW)], sem)
        pltpu.async_copy(embed_hbm.at[idx_v.at[r + 1]],
                         buf.at[pl.ds(IDX_ROW, IDX_ROW)], sem)

    def wait(buf, sem):
        pltpu.make_async_copy(embed_hbm.at[idx_v.at[0]],
                              buf.at[pl.ds(0, IDX_ROW)], sem).wait()
        pltpu.make_async_copy(embed_hbm.at[idx_v.at[0]],
                              buf.at[pl.ds(IDX_ROW, IDX_ROW)], sem).wait()

    def reduce_into(e, buf):
        def body(i, accs):
            l = i * UNROLL
            out = []
            for d in range(NCHUNK):
                s = accs[d]
                for k in range(UNROLL):
                    s = s + buf[l + k, pl.ds(d * LANES, LANES)]
                out.append(s)
            return tuple(out)
        accs = lax.fori_loop(
            0, SEQ // UNROLL, body,
            tuple(jnp.zeros((LANES,), jnp.float32) for _ in range(NCHUNK)))
        for d in range(NCHUNK):
            out_v[e, pl.ds(d * LANES, LANES)] = accs[d]

    issue(0, buf0, sem0)

    @pl.loop(0, ELEMS_PER_WORKER, step=2)
    def _(e):
        issue(e + 1, buf1, sem1)
        wait(buf0, sem0)
        reduce_into(e, buf0)
        issue((e + 2) % ELEMS_PER_WORKER, buf0, sem0)
        wait(buf1, sem1)
        reduce_into(e + 1, buf1)

    wait(buf0, sem0)

    pltpu.sync_copy(out_v,
                    out_hbm.at[pl.ds(wid * ELEMS_PER_WORKER,
                                     ELEMS_PER_WORKER)])


def _sc_pool(x2d, embed):
    mesh = plsc.VectorSubcoreMesh(core_axis_name="c", subcore_axis_name="s")
    return pl.kernel(
        _sc_pool_kernel,
        out_type=jax.ShapeDtypeStruct((BATCH, DIM), jnp.float32),
        mesh=mesh,
        scratch_types=[
            pltpu.VMEM((IDX_ROWS_PER_WORKER, IDX_ROW), jnp.int32),
            pltpu.VMEM((SEQ, DIM), jnp.float32),
            pltpu.VMEM((SEQ, DIM), jnp.float32),
            pltpu.VMEM((ELEMS_PER_WORKER, DIM), jnp.float32),
            pltpu.SemaphoreType.DMA,
            pltpu.SemaphoreType.DMA,
        ],
        compiler_params=pltpu.CompilerParams(use_tc_tiling_on_sc=False),
    )(x2d, embed)


def _tc_linear_kernel(sums_ref, w_ref, b_ref, out_ref):
    out_ref[...] = lax.dot_general(
        sums_ref[...], w_ref[...],
        dimension_numbers=(((1,), (1,)), ((), ())),
        preferred_element_type=jnp.float32) + b_ref[...]


def _tc_linear(sums, w_scaled, b):
    return pl.pallas_call(
        _tc_linear_kernel,
        out_shape=jax.ShapeDtypeStruct((BATCH, NUM_CLASSES), jnp.float32),
    )(sums, w_scaled, b.reshape(1, NUM_CLASSES))


def kernel(x, embed, fc1_w, fc1_b):
    x2d = x.reshape(BATCH * IDX_SPLIT, IDX_ROW).astype(jnp.int32)
    sums = _sc_pool(x2d, embed)
    return _tc_linear(sums, fc1_w * (1.0 / SEQ), fc1_b)

# --- scband reference (transcript-rebuilt; emitter-appended) ---
"""Pipeline reference for scband-fast-text-5669356833842 (READ-ONLY COPY).

The authoritative reference and input builder live on the scoring server;
editing this copy changes nothing except your own understanding.
"""

import jax, jax.numpy as jnp
import numpy as np

VOCAB = 1000000
DIM = 64
BATCH = 4096
SEQ = 200
NUM_CLASSES = 2

def setup_inputs(seed: int = 0) -> dict:
    key = jax.random.key(seed)
    k1, k2, k3 = jax.random.split(key, 3)
    x = jax.random.randint(k1, (BATCH, SEQ), 0, VOCAB, dtype=jnp.int64 if jax.config.jax_enable_x64 else jnp.int32)
    # embedding table initialized uniform(-0.25, 0.25) as in the torch 'rand' mode
    embed = jax.random.uniform(k2, (VOCAB, DIM), dtype=jnp.float32, minval=-0.25, maxval=0.25)
    # fc1: Linear(words_dim, target_class)
    bound = 1.0 / np.sqrt(DIM)
    fc1_w = jax.random.uniform(k3, (NUM_CLASSES, DIM), dtype=jnp.float32, minval=-bound, maxval=bound)
    fc1_b = jnp.zeros((NUM_CLASSES,), dtype=jnp.float32)
    return {"x": x, "embed": embed, "fc1_w": fc1_w, "fc1_b": fc1_b}

def reference(x, embed, fc1_w, fc1_b):
    # embedding lookup (gather)
    e = jnp.take(embed, x, axis=0)            # [B, L, D]
    # F.avg_pool2d(x, (L, 1)).squeeze(1) == mean over the sequence dim
    pooled = jnp.mean(e, axis=1)               # [B, D]
    logit = pooled @ fc1_w.T + fc1_b           # [B, C]
    return logit

if __name__ == "__main__":
    import jax
    _d = setup_inputs()
    print(jax.jit(kernel)(*tuple(_d.values())))

</pallas_src>

<mosaic_0001>
#map = affine_map<(d0, d1) -> (0, 0)>
module attributes {stable_mosaic.version = 14 : i64} {
  func.func @_sc_pool_kernel(%arg0: i32, %arg1: i32, %arg2: memref<8192x100xi32, #tpu.memory_space<hbm>>, %arg3: memref<1000000x64xf32, #tpu.memory_space<hbm>>, %arg4: memref<4096x64xf32, #tpu.memory_space<hbm>>, %arg5: memref<256x100xi32, #tpu.memory_space<vmem>>, %arg6: memref<200x64xf32, #tpu.memory_space<vmem>>, %arg7: memref<200x64xf32, #tpu.memory_space<vmem>>, %arg8: memref<128x64xf32, #tpu.memory_space<vmem>>, %arg9: memref<!tpu.dma_semaphore, #tpu.memory_space<semaphore_mem>>, %arg10: memref<!tpu.dma_semaphore, #tpu.memory_space<semaphore_mem>>) attributes {dimension_semantics = [#tpu.dimension_semantics<core_parallel>, #tpu.dimension_semantics<subcore_parallel>], iteration_bounds = array<i64: 2, 16>, scalar_prefetch = 0 : i64, scratch_operands = 6 : i64, tpu.core_type = #tpu.core_type<sc_vector_subcore>, window_params = [{transform_indices = #map}, {transform_indices = #map}, {transform_indices = #map}]} {
    %mul3A = arith.constant 2 : i32
    %mul3A_0 = arith.muli %arg1, %mul3A : i32
    %add3A = arith.addi %mul3A_0, %arg0 : i32
    %mul3A_1 = arith.constant 256 : i32
    %mul3A_2 = arith.muli %add3A, %mul3A_1 : i32
    "tpu.region"() ({
      %run_scoped3A = tpu.sem_alloc : memref<!tpu.dma_semaphore, #tpu.memory_space<semaphore_mem>>
      %dma_start3A_47 = arith.constant 0 : i32
      %dma_start3A_48 = tpu.memref_slice %arg2[%mul3A_2, %dma_start3A_47] : memref<8192x100xi32, #tpu.memory_space<hbm>> -> memref<256x100xi32, #tpu.memory_space<hbm>>
      %dma_start3A_49 = arith.constant 0 : i32
      %dma_start3A_50 = tpu.memref_slice %arg2[%mul3A_2, %dma_start3A_49] : memref<8192x100xi32, #tpu.memory_space<hbm>> -> memref<256x100xi32, #tpu.memory_space<hbm>>
      tpu.enqueue_dma source(%dma_start3A_50 : memref<256x100xi32, #tpu.memory_space<hbm>>) target(%arg5 : memref<256x100xi32, #tpu.memory_space<vmem>>) target_semaphore(%run_scoped3A : memref<!tpu.dma_semaphore, #tpu.memory_space<semaphore_mem>>)
      %dma_wait3A_51 = arith.constant 0 : i32
      %dma_wait3A_52 = tpu.memref_slice %arg2[%mul3A_2, %dma_wait3A_51] : memref<8192x100xi32, #tpu.memory_space<hbm>> -> memref<256x100xi32, #tpu.memory_space<hbm>>
      %dma_wait3A_53 = arith.constant 0 : i32
      %dma_wait3A_54 = tpu.memref_slice %arg2[%mul3A_2, %dma_wait3A_53] : memref<8192x100xi32, #tpu.memory_space<hbm>> -> memref<256x100xi32, #tpu.memory_space<hbm>>
      tpu.wait_dma2 semaphore(%run_scoped3A : memref<!tpu.dma_semaphore, #tpu.memory_space<semaphore_mem>>) src(%dma_wait3A_54 : memref<256x100xi32, #tpu.memory_space<hbm>>) dst(%arg5 : memref<256x100xi32, #tpu.memory_space<vmem>>)
      tpu.yield
    }) : () -> ()
    %dma_start3A = arith.constant 0 : i32
    %dma_start3A_3 = arith.constant 0 : i32
    %dma_start3A_4 = arith.constant 0 : i32
    %dma_start3A_5 = tpu.memref_slice %arg6[%dma_start3A_3, %dma_start3A_4] : memref<200x64xf32, #tpu.memory_space<vmem>> -> memref<100x64xf32, #tpu.memory_space<vmem>>
    %dma_start3A_6 = arith.constant 0 : i32
    %dma_start3A_7 = tpu.memref_slice %arg5[%dma_start3A, %dma_start3A_6] : memref<256x100xi32, #tpu.memory_space<vmem>> -> memref<1x100xi32, #tpu.memory_space<vmem>>
    %dma_start3A_8 = tpu.memref_squeeze %dma_start3A_7 : memref<1x100xi32, #tpu.memory_space<vmem>> -> memref<100xi32, #tpu.memory_space<vmem>>
    %dma_start3A_9 = arith.constant 0 : i32
    %dma_start3A_10 = arith.constant 0 : i32
    %dma_start3A_11 = tpu.memref_slice %arg3[%dma_start3A_9, %dma_start3A_10] : memref<1000000x64xf32, #tpu.memory_space<hbm>> -> memref<1000000x64xf32, #tpu.memory_space<hbm>>
    tpu.enqueue_indirect_dma source(%dma_start3A_11 : memref<1000000x64xf32, #tpu.memory_space<hbm>>) target(%dma_start3A_5 : memref<100x64xf32, #tpu.memory_space<vmem>>) offsets(%dma_start3A_8 : memref<100xi32, #tpu.memory_space<vmem>>) semaphore(%arg9 : memref<!tpu.dma_semaphore, #tpu.memory_space<semaphore_mem>>)
    %dma_start3A_12 = arith.constant 1 : i32
    %dma_start3A_13 = arith.constant 100 : i32
    %dma_start3A_14 = arith.constant 0 : i32
    %dma_start3A_15 = tpu.memref_slice %arg6[%dma_start3A_13, %dma_start3A_14] : memref<200x64xf32, #tpu.memory_space<vmem>> -> memref<100x64xf32, #tpu.memory_space<vmem>>
    %dma_start3A_16 = arith.constant 0 : i32
    %dma_start3A_17 = tpu.memref_slice %arg5[%dma_start3A_12, %dma_start3A_16] : memref<256x100xi32, #tpu.memory_space<vmem>> -> memref<1x100xi32, #tpu.memory_space<vmem>>
    %dma_start3A_18 = tpu.memref_squeeze %dma_start3A_17 : memref<1x100xi32, #tpu.memory_space<vmem>> -> memref<100xi32, #tpu.memory_space<vmem>>
    %dma_start3A_19 = arith.constant 0 : i32
    %dma_start3A_20 = arith.constant 0 : i32
    %dma_start3A_21 = tpu.memref_slice %arg3[%dma_start3A_19, %dma_start3A_20] : memref<1000000x64xf32, #tpu.memory_space<hbm>> -> memref<1000000x64xf32, #tpu.memory_space<hbm>>
    tpu.enqueue_indirect_dma source(%dma_start3A_21 : memref<1000000x64xf32, #tpu.memory_space<hbm>>) target(%dma_start3A_15 : memref<100x64xf32, #tpu.memory_space<vmem>>) offsets(%dma_start3A_18 : memref<100xi32, #tpu.memory_space<vmem>>) semaphore(%arg9 : memref<!tpu.dma_semaphore, #tpu.memory_space<semaphore_mem>>)
    %scan3A = arith.constant 0 : i32
    %scan3A_22 = arith.constant 64 : i32
    %scan3A_23 = arith.addi %scan3A, %scan3A_22 : i32
    %scan3A_24 = arith.constant 1 : i32
    scf.for %scan3A_47 = %scan3A to %scan3A_23 step %scan3A_24  : i32 {
      %mul3A_48 = arith.constant 2 : i32
      %mul3A_49 = arith.muli %scan3A_47, %mul3A_48 : i32
      %add3A_50 = arith.constant 0 : i32
      %add3A_51 = arith.addi %add3A_50, %mul3A_49 : i32
      %add3A_52 = arith.constant 1 : i32
      %add3A_53 = arith.addi %add3A_51, %add3A_52 : i32
      %mul3A_54 = arith.constant 2 : i32
      %mul3A_55 = arith.muli %add3A_53, %mul3A_54 : i32
      %dma_start3A_56 = arith.constant 0 : i32
      %dma_start3A_57 = arith.constant 0 : i32
      %dma_start3A_58 = tpu.memref_slice %arg7[%dma_start3A_56, %dma_start3A_57] : memref<200x64xf32, #tpu.memory_space<vmem>> -> memref<100x64xf32, #tpu.memory_space<vmem>>
      %dma_start3A_59 = arith.constant 0 : i32
      %dma_start3A_60 = tpu.memref_slice %arg5[%mul3A_55, %dma_start3A_59] : memref<256x100xi32, #tpu.memory_space<vmem>> -> memref<1x100xi32, #tpu.memory_space<vmem>>
      %dma_start3A_61 = tpu.memref_squeeze %dma_start3A_60 : memref<1x100xi32, #tpu.memory_space<vmem>> -> memref<100xi32, #tpu.memory_space<vmem>>
      %dma_start3A_62 = arith.constant 0 : i32
      %dma_start3A_63 = arith.constant 0 : i32
      %dma_start3A_64 = tpu.memref_slice %arg3[%dma_start3A_62, %dma_start3A_63] : memref<1000000x64xf32, #tpu.memory_space<hbm>> -> memref<1000000x64xf32, #tpu.memory_space<hbm>>
      tpu.enqueue_indirect_dma source(%dma_start3A_64 : memref<1000000x64xf32, #tpu.memory_space<hbm>>) target(%dma_start3A_58 : memref<100x64xf32, #tpu.memory_space<vmem>>) offsets(%dma_start3A_61 : memref<100xi32, #tpu.memory_space<vmem>>) semaphore(%arg10 : memref<!tpu.dma_semaphore, #tpu.memory_space<semaphore_mem>>)
      %add3A_65 = arith.constant 1 : i32
      %add3A_66 = arith.addi %mul3A_55, %add3A_65 : i32
      %dma_start3A_67 = arith.constant 100 : i32
      %dma_start3A_68 = arith.constant 0 : i32
      %dma_start3A_69 = tpu.memref_slice %arg7[%dma_start3A_67, %dma_start3A_68] : memref<200x64xf32, #tpu.memory_space<vmem>> -> memref<100x64xf32, #tpu.memory_space<vmem>>
      %dma_start3A_70 = arith.constant 0 : i32
      %dma_start3A_71 = tpu.memref_slice %arg5[%add3A_66, %dma_start3A_70] : memref<256x100xi32, #tpu.memory_space<vmem>> -> memref<1x100xi32, #tpu.memory_space<vmem>>
      %dma_start3A_72 = tpu.memref_squeeze %dma_start3A_71 : memref<1x100xi32, #tpu.memory_space<vmem>> -> memref<100xi32, #tpu.memory_space<vmem>>
      %dma_start3A_73 = arith.constant 0 : i32
      %dma_start3A_74 = arith.constant 0 : i32
      %dma_start3A_75 = tpu.memref_slice %arg3[%dma_start3A_73, %dma_start3A_74] : memref<1000000x64xf32, #tpu.memory_space<hbm>> -> memref<1000000x64xf32, #tpu.memory_space<hbm>>
      tpu.enqueue_indirect_dma source(%dma_start3A_75 : memref<1000000x64xf32, #tpu.memory_space<hbm>>) target(%dma_start3A_69 : memref<100x64xf32, #tpu.memory_space<vmem>>) offsets(%dma_start3A_72 : memref<100xi32, #tpu.memory_space<vmem>>) semaphore(%arg10 : memref<!tpu.dma_semaphore, #tpu.memory_space<semaphore_mem>>)
      %dma_wait3A_76 = arith.constant 0 : i32
      %dma_wait3A_77 = arith.constant 0 : i32
      %dma_wait3A_78 = arith.constant 0 : i32
      %dma_wait3A_79 = tpu.memref_slice %arg6[%dma_wait3A_77, %dma_wait3A_78] : memref<200x64xf32, #tpu.memory_space<vmem>> -> memref<100x64xf32, #tpu.memory_space<vmem>>
      %dma_wait3A_80 = arith.constant 0 : i32
      %dma_wait3A_81 = tpu.memref_slice %arg5[%dma_wait3A_76, %dma_wait3A_80] : memref<256x100xi32, #tpu.memory_space<vmem>> -> memref<1x100xi32, #tpu.memory_space<vmem>>
      %dma_wait3A_82 = tpu.memref_squeeze %dma_wait3A_81 : memref<1x100xi32, #tpu.memory_space<vmem>> -> memref<100xi32, #tpu.memory_space<vmem>>
      %dma_wait3A_83 = arith.constant 0 : i32
      %dma_wait3A_84 = arith.constant 0 : i32
      %dma_wait3A_85 = tpu.memref_slice %arg3[%dma_wait3A_83, %dma_wait3A_84] : memref<1000000x64xf32, #tpu.memory_space<hbm>> -> memref<1000000x64xf32, #tpu.memory_space<hbm>>
      tpu.wait_indirect_dma semaphore(%arg9 : memref<!tpu.dma_semaphore, #tpu.memory_space<semaphore_mem>>) src(%dma_wait3A_85 : memref<1000000x64xf32, #tpu.memory_space<hbm>>) dst(%dma_wait3A_79 : memref<100x64xf32, #tpu.memory_space<vmem>>)
      %dma_wait3A_86 = arith.constant 0 : i32
      %dma_wait3A_87 = arith.constant 100 : i32
      %dma_wait3A_88 = arith.constant 0 : i32
      %dma_wait3A_89 = tpu.memref_slice %arg6[%dma_wait3A_87, %dma_wait3A_88] : memref<200x64xf32, #tpu.memory_space<vmem>> -> memref<100x64xf32, #tpu.memory_space<vmem>>
      %dma_wait3A_90 = arith.constant 0 : i32
      %dma_wait3A_91 = tpu.memref_slice %arg5[%dma_wait3A_86, %dma_wait3A_90] : memref<256x100xi32, #tpu.memory_space<vmem>> -> memref<1x100xi32, #tpu.memory_space<vmem>>
      %dma_wait3A_92 = tpu.memref_squeeze %dma_wait3A_91 : memref<1x100xi32, #tpu.memory_space<vmem>> -> memref<100xi32, #tpu.memory_space<vmem>>
      %dma_wait3A_93 = arith.constant 0 : i32
      %dma_wait3A_94 = arith.constant 0 : i32
      %dma_wait3A_95 = tpu.memref_slice %arg3[%dma_wait3A_93, %dma_wait3A_94] : memref<1000000x64xf32, #tpu.memory_space<hbm>> -> memref<1000000x64xf32, #tpu.memory_space<hbm>>
      tpu.wait_indirect_dma semaphore(%arg9 : memref<!tpu.dma_semaphore, #tpu.memory_space<semaphore_mem>>) src(%dma_wait3A_95 : memref<1000000x64xf32, #tpu.memory_space<hbm>>) dst(%dma_wait3A_89 : memref<100x64xf32, #tpu.memory_space<vmem>>)
      %broadcast_in_dim3A = arith.constant 0.000000e+00 : f32
      %broadcast_in_dim3A_96 = vector.broadcast %broadcast_in_dim3A : f32 to vector<16xf32>
      %broadcast_in_dim3A_97 = arith.constant 0.000000e+00 : f32
      %broadcast_in_dim3A_98 = vector.broadcast %broadcast_in_dim3A_97 : f32 to vector<16xf32>
      %broadcast_in_dim3A_99 = arith.constant 0.000000e+00 : f32
      %broadcast_in_dim3A_100 = vector.broadcast %broadcast_in_dim3A_99 : f32 to vector<16xf32>
      %broadcast_in_dim3A_101 = arith.constant 0.000000e+00 : f32
      %broadcast_in_dim3A_102 = vector.broadcast %broadcast_in_dim3A_101 : f32 to vector<16xf32>
      %scan3A_103 = arith.constant 0 : i32
      %scan3A_104 = arith.constant 25 : i32
      %scan3A_105 = arith.addi %scan3A_103, %scan3A_104 : i32
      %scan3A_106 = arith.constant 1 : i32
      %scan3A_107:4 = scf.for %scan3A_217 = %scan3A_103 to %scan3A_105 step %scan3A_106 iter_args(%scan3A_218 = %broadcast_in_dim3A_96, %scan3A_219 = %broadcast_in_dim3A_98, %scan3A_220 = %broadcast_in_dim3A_100, %scan3A_221 = %broadcast_in_dim3A_102) -> (vector<16xf32>, vector<16xf32>, vector<16xf32>, vector<16xf32>)  : i32 {
        %mul3A_222 = arith.constant 8 : i32
        %mul3A_223 = arith.muli %scan3A_217, %mul3A_222 : i32
        %add3A_224 = arith.constant 0 : i32
        %add3A_225 = arith.addi %mul3A_223, %add3A_224 : i32
        %get3A = arith.index_cast %add3A_225 : i32 to index
        %get3A_226 = arith.constant 0 : index
        %get3A_227 = tpu.vector_load %arg6[%get3A, %get3A_226] {strides = array<i32>} : memref<200x64xf32, #tpu.memory_space<vmem>>, vector<1x16xf32>,
        %get3A_228 = vector.shape_cast %get3A_227 : vector<1x16xf32> to vector<16xf32>
        %add3A_229 = arith.addf %scan3A_218, %get3A_228 : vector<16xf32>
        %add3A_230 = arith.constant 1 : i32
        %add3A_231 = arith.addi %mul3A_223, %add3A_230 : i32
        %get3A_232 = arith.index_cast %add3A_231 : i32 to index
        %get3A_233 = arith.constant 0 : index
        %get3A_234 = tpu.vector_load %arg6[%get3A_232, %get3A_233] {strides = array<i32>} : memref<200x64xf32, #tpu.memory_space<vmem>>, vector<1x16xf32>,
        %get3A_235 = vector.shape_cast %get3A_234 : vector<1x16xf32> to vector<16xf32>
        %add3A_236 = arith.addf %add3A_229, %get3A_235 : vector<16xf32>
        %add3A_237 = arith.constant 2 : i32
        %add3A_238 = arith.addi %mul3A_223, %add3A_237 : i32
        %get3A_239 = arith.index_cast %add3A_238 : i32 to index
        %get3A_240 = arith.constant 0 : index
        %get3A_241 = tpu.vector_load %arg6[%get3A_239, %get3A_240] {strides = array<i32>} : memref<200x64xf32, #tpu.memory_space<vmem>>, vector<1x16xf32>,
        %get3A_242 = vector.shape_cast %get3A_241 : vector<1x16xf32> to vector<16xf32>
        %add3A_243 = arith.addf %add3A_236, %get3A_242 : vector<16xf32>
        %add3A_244 = arith.constant 3 : i32
        %add3A_245 = arith.addi %mul3A_223, %add3A_244 : i32
        %get3A_246 = arith.index_cast %add3A_245 : i32 to index
        %get3A_247 = arith.constant 0 : index
        %get3A_248 = tpu.vector_load %arg6[%get3A_246, %get3A_247] {strides = array<i32>} : memref<200x64xf32, #tpu.memory_space<vmem>>, vector<1x16xf32>,
        %get3A_249 = vector.shape_cast %get3A_248 : vector<1x16xf32> to vector<16xf32>
        %add3A_250 = arith.addf %add3A_243, %get3A_249 : vector<16xf32>
        %add3A_251 = arith.constant 4 : i32
        %add3A_252 = arith.addi %mul3A_223, %add3A_251 : i32
        %get3A_253 = arith.index_cast %add3A_252 : i32 to index
        %get3A_254 = arith.constant 0 : index
        %get3A_255 = tpu.vector_load %arg6[%get3A_253, %get3A_254] {strides = array<i32>} : memref<200x64xf32, #tpu.memory_space<vmem>>, vector<1x16xf32>,
        %get3A_256 = vector.shape_cast %get3A_255 : vector<1x16xf32> to vector<16xf32>
        %add3A_257 = arith.addf %add3A_250, %get3A_256 : vector<16xf32>
        %add3A_258 = arith.constant 5 : i32
        %add3A_259 = arith.addi %mul3A_223, %add3A_258 : i32
        %get3A_260 = arith.index_cast %add3A_259 : i32 to index
        %get3A_261 = arith.constant 0 : index
        %get3A_262 = tpu.vector_load %arg6[%get3A_260, %get3A_261] {strides = array<i32>} : memref<200x64xf32, #tpu.memory_space<vmem>>, vector<1x16xf32>,
        %get3A_263 = vector.shape_cast %get3A_262 : vector<1x16xf32> to vector<16xf32>
        %add3A_264 = arith.addf %add3A_257, %get3A_263 : vector<16xf32>
        %add3A_265 = arith.constant 6 : i32
        %add3A_266 = arith.addi %mul3A_223, %add3A_265 : i32
        %get3A_267 = arith.index_cast %add3A_266 : i32 to index
        %get3A_268 = arith.constant 0 : index
        %get3A_269 = tpu.vector_load %arg6[%get3A_267, %get3A_268] {strides = array<i32>} : memref<200x64xf32, #tpu.memory_space<vmem>>, vector<1x16xf32>,
        %get3A_270 = vector.shape_cast %get3A_269 : vector<1x16xf32> to vector<16xf32>
        %add3A_271 = arith.addf %add3A_264, %get3A_270 : vector<16xf32>
        %add3A_272 = arith.constant 7 : i32
        %add3A_273 = arith.addi %mul3A_223, %add3A_272 : i32
        %get3A_274 = arith.index_cast %add3A_273 : i32 to index
        %get3A_275 = arith.constant 0 : index
        %get3A_276 = tpu.vector_load %arg6[%get3A_274, %get3A_275] {strides = array<i32>} : memref<200x64xf32, #tpu.memory_space<vmem>>, vector<1x16xf32>,
        %get3A_277 = vector.shape_cast %get3A_276 : vector<1x16xf32> to vector<16xf32>
        %add3A_278 = arith.addf %add3A_271, %get3A_277 : vector<16xf32>
        %add3A_279 = arith.constant 0 : i32
        %add3A_280 = arith.addi %mul3A_223, %add3A_279 : i32
        %get3A_281 = arith.index_cast %add3A_280 : i32 to index
        %get3A_282 = arith.constant 16 : index
        %get3A_283 = tpu.vector_load %arg6[%get3A_281, %get3A_282] {strides = array<i32>} : memref<200x64xf32, #tpu.memory_space<vmem>>, vector<1x16xf32>,
        %get3A_284 = vector.shape_cast %get3A_283 : vector<1x16xf32> to vector<16xf32>
        %add3A_285 = arith.addf %scan3A_219, %get3A_284 : vector<16xf32>
        %add3A_286 = arith.constant 1 : i32
        %add3A_287 = arith.addi %mul3A_223, %add3A_286 : i32
        %get3A_288 = arith.index_cast %add3A_287 : i32 to index
        %get3A_289 = arith.constant 16 : index
        %get3A_290 = tpu.vector_load %arg6[%get3A_288, %get3A_289] {strides = array<i32>} : memref<200x64xf32, #tpu.memory_space<vmem>>, vector<1x16xf32>,
        %get3A_291 = vector.shape_cast %get3A_290 : vector<1x16xf32> to vector<16xf32>
        %add3A_292 = arith.addf %add3A_285, %get3A_291 : vector<16xf32>
        %add3A_293 = arith.constant 2 : i32
        %add3A_294 = arith.addi %mul3A_223, %add3A_293 : i32
        %get3A_295 = arith.index_cast %add3A_294 : i32 to index
        %get3A_296 = arith.constant 16 : index
        %get3A_297 = tpu.vector_load %arg6[%get3A_295, %get3A_296] {strides = array<i32>} : memref<200x64xf32, #tpu.memory_space<vmem>>, vector<1x16xf32>,
        %get3A_298 = vector.shape_cast %get3A_297 : vector<1x16xf32> to vector<16xf32>
        %add3A_299 = arith.addf %add3A_292, %get3A_298 : vector<16xf32>
        %add3A_300 = arith.constant 3 : i32
        %add3A_301 = arith.addi %mul3A_223, %add3A_300 : i32
        %get3A_302 = arith.index_cast %add3A_301 : i32 to index
        %get3A_303 = arith.constant 16 : index
        %get3A_304 = tpu.vector_load %arg6[%get3A_302, %get3A_303] {strides = array<i32>} : memref<200x64xf32, #tpu.memory_space<vmem>>, vector<1x16xf32>,
        %get3A_305 = vector.shape_cast %get3A_304 : vector<1x16xf32> to vector<16xf32>
        %add3A_306 = arith.addf %add3A_299, %get3A_305 : vector<16xf32>
        %add3A_307 = arith.constant 4 : i32
        %add3A_308 = arith.addi %mul3A_223, %add3A_307 : i32
        %get3A_309 = arith.index_cast %add3A_308 : i32 to index
        %get3A_310 = arith.constant 16 : index
        %get3A_311 = tpu.vector_load %arg6[%get3A_309, %get3A_310] {strides = array<i32>} : memref<200x64xf32, #tpu.memory_space<vmem>>, vector<1x16xf32>,
        %get3A_312 = vector.shape_cast %get3A_311 : vector<1x16xf32> to vector<16xf32>
        %add3A_313 = arith.addf %add3A_306, %get3A_312 : vector<16xf32>
        %add3A_314 = arith.constant 5 : i32
        %add3A_315 = arith.addi %mul3A_223, %add3A_314 : i32
        %get3A_316 = arith.index_cast %add3A_315 : i32 to index
        %get3A_317 = arith.constant 16 : index
        %get3A_318 = tpu.vector_load %arg6[%get3A_316, %get3A_317] {strides = array<i32>} : memref<200x64xf32, #tpu.memory_space<vmem>>, vector<1x16xf32>,
        %get3A_319 = vector.shape_cast %get3A_318 : vector<1x16xf32> to vector<16xf32>
        %add3A_320 = arith.addf %add3A_313, %get3A_319 : vector<16xf32>
        %add3A_321 = arith.constant 6 : i32
        %add3A_322 = arith.addi %mul3A_223, %add3A_321 : i32
        %get3A_323 = arith.index_cast %add3A_322 : i32 to index
        %get3A_324 = arith.constant 16 : index
        %get3A_325 = tpu.vector_load %arg6[%get3A_323, %get3A_324] {strides = array<i32>} : memref<200x64xf32, #tpu.memory_space<vmem>>, vector<1x16xf32>,
        %get3A_326 = vector.shape_cast %get3A_325 : vector<1x16xf32> to vector<16xf32>
        %add3A_327 = arith.addf %add3A_320, %get3A_326 : vector<16xf32>
        %add3A_328 = arith.constant 7 : i32
        %add3A_329 = arith.addi %mul3A_223, %add3A_328 : i32
        %get3A_330 = arith.index_cast %add3A_329 : i32 to index
        %get3A_331 = arith.constant 16 : index
        %get3A_332 = tpu.vector_load %arg6[%get3A_330, %get3A_331] {strides = array<i32>} : memref<200x64xf32, #tpu.memory_space<vmem>>, vector<1x16xf32>,
        %get3A_333 = vector.shape_cast %get3A_332 : vector<1x16xf32> to vector<16xf32>
        %add3A_334 = arith.addf %add3A_327, %get3A_333 : vector<16xf32>
        %add3A_335 = arith.constant 0 : i32
        %add3A_336 = arith.addi %mul3A_223, %add3A_335 : i32
        %get3A_337 = arith.index_cast %add3A_336 : i32 to index
        %get3A_338 = arith.constant 32 : index
        %get3A_339 = tpu.vector_load %arg6[%get3A_337, %get3A_338] {strides = array<i32>} : memref<200x64xf32, #tpu.memory_space<vmem>>, vector<1x16xf32>,
        %get3A_340 = vector.shape_cast %get3A_339 : vector<1x16xf32> to vector<16xf32>
        %add3A_341 = arith.addf %scan3A_220, %get3A_340 : vector<16xf32>
        %add3A_342 = arith.constant 1 : i32
        %add3A_343 = arith.addi %mul3A_223, %add3A_342 : i32
        %get3A_344 = arith.index_cast %add3A_343 : i32 to index
        %get3A_345 = arith.constant 32 : index
        %get3A_346 = tpu.vector_load %arg6[%get3A_344, %get3A_345] {strides = array<i32>} : memref<200x64xf32, #tpu.memory_space<vmem>>, vector<1x16xf32>,
        %get3A_347 = vector.shape_cast %get3A_346 : vector<1x16xf32> to vector<16xf32>
        %add3A_348 = arith.addf %add3A_341, %get3A_347 : vector<16xf32>
        %add3A_349 = arith.constant 2 : i32
        %add3A_350 = arith.addi %mul3A_223, %add3A_349 : i32
        %get3A_351 = arith.index_cast %add3A_350 : i32 to index
        %get3A_352 = arith.constant 32 : index
        %get3A_353 = tpu.vector_load %arg6[%get3A_351, %get3A_352] {strides = array<i32>} : memref<200x64xf32, #tpu.memory_space<vmem>>, vector<1x16xf32>,
        %get3A_354 = vector.shape_cast %get3A_353 : vector<1x16xf32> to vector<16xf32>
        %add3A_355 = arith.addf %add3A_348, %get3A_354 : vector<16xf32>
        %add3A_356 = arith.constant 3 : i32
        %add3A_357 = arith.addi %mul3A_223, %add3A_356 : i32
        %get3A_358 = arith.index_cast %add3A_357 : i32 to index
        %get3A_359 = arith.constant 32 : index
        %get3A_360 = tpu.vector_load %arg6[%get3A_358, %get3A_359] {strides = array<i32>} : memref<200x64xf32, #tpu.memory_space<vmem>>, vector<1x16xf32>,
        %get3A_361 = vector.shape_cast %get3A_360 : vector<1x16xf32> to vector<16xf32>
        %add3A_362 = arith.addf %add3A_355, %get3A_361 : vector<16xf32>
        %add3A_363 = arith.constant 4 : i32
        %add3A_364 = arith.addi %mul3A_223, %add3A_363 : i32
        %get3A_365 = arith.index_cast %add3A_364 : i32 to index
        %get3A_366 = arith.constant 32 : index
        %get3A_367 = tpu.vector_load %arg6[%get3A_365, %get3A_366] {strides = array<i32>} : memref<200x64xf32, #tpu.memory_space<vmem>>, vector<1x16xf32>,
        %get3A_368 = vector.shape_cast %get3A_367 : vector<1x16xf32> to vector<16xf32>
        %add3A_369 = arith.addf %add3A_362, %get3A_368 : vector<16xf32>
        %add3A_370 = arith.constant 5 : i32
        %add3A_371 = arith.addi %mul3A_223, %add3A_370 : i32
        %get3A_372 = arith.index_cast %add3A_371 : i32 to index
        %get3A_373 = arith.constant 32 : index
        %get3A_374 = tpu.vector_load %arg6[%get3A_372, %get3A_373] {strides = array<i32>} : memref<200x64xf32, #tpu.memory_space<vmem>>, vector<1x16xf32>,
        %get3A_375 = vector.shape_cast %get3A_374 : vector<1x16xf32> to vector<16xf32>
        %add3A_376 = arith.addf %add3A_369, %get3A_375 : vector<16xf32>
        %add3A_377 = arith.constant 6 : i32
        %add3A_378 = arith.addi %mul3A_223, %add3A_377 : i32
        %get3A_379 = arith.index_cast %add3A_378 : i32 to index
        %get3A_380 = arith.constant 32 : index
        %get3A_381 = tpu.vector_load %arg6[%get3A_379, %get3A_380] {strides = array<i32>} : memref<200x64xf32, #tpu.memory_space<vmem>>, vector<1x16xf32>,
        %get3A_382 = vector.shape_cast %get3A_381 : vector<1x16xf32> to vector<16xf32>
        %add3A_383 = arith.addf %add3A_376, %get3A_382 : vector<16xf32>
        %add3A_384 = arith.constant 7 : i32
        %add3A_385 = arith.addi %mul3A_223, %add3A_384 : i32
        %get3A_386 = arith.index_cast %add3A_385 : i32 to index
        %get3A_387 = arith.constant 32 : index
        %get3A_388 = tpu.vector_load %arg6[%get3A_386, %get3A_387] {strides = array<i32>} : memref<200x64xf32, #tpu.memory_space<vmem>>, vector<1x16xf32>,
        %get3A_389 = vector.shape_cast %get3A_388 : vector<1x16xf32> to vector<16xf32>
        %add3A_390 = arith.addf %add3A_383, %get3A_389 : vector<16xf32>
        %add3A_391 = arith.constant 0 : i32
        %add3A_392 = arith.addi %mul3A_223, %add3A_391 : i32
        %get3A_393 = arith.index_cast %add3A_392 : i32 to index
        %get3A_394 = arith.constant 48 : index
        %get3A_395 = tpu.vector_load %arg6[%get3A_393, %get3A_394] {strides = array<i32>} : memref<200x64xf32, #tpu.memory_space<vmem>>, vector<1x16xf32>,
        %get3A_396 = vector.shape_cast %get3A_395 : vector<1x16xf32> to vector<16xf32>
        %add3A_397 = arith.addf %scan3A_221, %get3A_396 : vector<16xf32>
        %add3A_398 = arith.constant 1 : i32
        %add3A_399 = arith.addi %mul3A_223, %add3A_398 : i32
        %get3A_400 = arith.index_cast %add3A_399 : i32 to index
        %get3A_401 = arith.constant 48 : index
        %get3A_402 = tpu.vector_load %arg6[%get3A_400, %get3A_401] {strides = array<i32>} : memref<200x64xf32, #tpu.memory_space<vmem>>, vector<1x16xf32>,
        %get3A_403 = vector.shape_cast %get3A_402 : vector<1x16xf32> to vector<16xf32>
        %add3A_404 = arith.addf %add3A_397, %get3A_403 : vector<16xf32>
        %add3A_405 = arith.constant 2 : i32
        %add3A_406 = arith.addi %mul3A_223, %add3A_405 : i32
        %get3A_407 = arith.index_cast %add3A_406 : i32 to index
        %get3A_408 = arith.constant 48 : index
        %get3A_409 = tpu.vector_load %arg6[%get3A_407, %get3A_408] {strides = array<i32>} : memref<200x64xf32, #tpu.memory_space<vmem>>, vector<1x16xf32>,
        %get3A_410 = vector.shape_cast %get3A_409 : vector<1x16xf32> to vector<16xf32>
        %add3A_411 = arith.addf %add3A_404, %get3A_410 : vector<16xf32>
        %add3A_412 = arith.constant 3 : i32
        %add3A_413 = arith.addi %mul3A_223, %add3A_412 : i32
        %get3A_414 = arith.index_cast %add3A_413 : i32 to index
        %get3A_415 = arith.constant 48 : index
        %get3A_416 = tpu.vector_load %arg6[%get3A_414, %get3A_415] {strides = array<i32>} : memref<200x64xf32, #tpu.memory_space<vmem>>, vector<1x16xf32>,
        %get3A_417 = vector.shape_cast %get3A_416 : vector<1x16xf32> to vector<16xf32>
        %add3A_418 = arith.addf %add3A_411, %get3A_417 : vector<16xf32>
        %add3A_419 = arith.constant 4 : i32
        %add3A_420 = arith.addi %mul3A_223, %add3A_419 : i32
        %get3A_421 = arith.index_cast %add3A_420 : i32 to index
        %get3A_422 = arith.constant 48 : index
        %get3A_423 = tpu.vector_load %arg6[%get3A_421, %get3A_422] {strides = array<i32>} : memref<200x64xf32, #tpu.memory_space<vmem>>, vector<1x16xf32>,
        %get3A_424 = vector.shape_cast %get3A_423 : vector<1x16xf32> to vector<16xf32>
        %add3A_425 = arith.addf %add3A_418, %get3A_424 : vector<16xf32>
        %add3A_426 = arith.constant 5 : i32
        %add3A_427 = arith.addi %mul3A_223, %add3A_426 : i32
        %get3A_428 = arith.index_cast %add3A_427 : i32 to index
        %get3A_429 = arith.constant 48 : index
        %get3A_430 = tpu.vector_load %arg6[%get3A_428, %get3A_429] {strides = array<i32>} : memref<200x64xf32, #tpu.memory_space<vmem>>, vector<1x16xf32>,
        %get3A_431 = vector.shape_cast %get3A_430 : vector<1x16xf32> to vector<16xf32>
        %add3A_432 = arith.addf %add3A_425, %get3A_431 : vector<16xf32>
        %add3A_433 = arith.constant 6 : i32
        %add3A_434 = arith.addi %mul3A_223, %add3A_433 : i32
        %get3A_435 = arith.index_cast %add3A_434 : i32 to index
        %get3A_436 = arith.constant 48 : index
        %get3A_437 = tpu.vector_load %arg6[%get3A_435, %get3A_436] {strides = array<i32>} : memref<200x64xf32, #tpu.memory_space<vmem>>, vector<1x16xf32>,
        %get3A_438 = vector.shape_cast %get3A_437 : vector<1x16xf32> to vector<16xf32>
        %add3A_439 = arith.addf %add3A_432, %get3A_438 : vector<16xf32>
        %add3A_440 = arith.constant 7 : i32
        %add3A_441 = arith.addi %mul3A_223, %add3A_440 : i32
        %get3A_442 = arith.index_cast %add3A_441 : i32 to index
        %get3A_443 = arith.constant 48 : index
        %get3A_444 = tpu.vector_load %arg6[%get3A_442, %get3A_443] {strides = array<i32>} : memref<200x64xf32, #tpu.memory_space<vmem>>, vector<1x16xf32>,
        %get3A_445 = vector.shape_cast %get3A_444 : vector<1x16xf32> to vector<16xf32>
        %add3A_446 = arith.addf %add3A_439, %get3A_445 : vector<16xf32>
        scf.yield %add3A_278, %add3A_334, %add3A_390, %add3A_446 : vector<16xf32>, vector<16xf32>, vector<16xf32>, vector<16xf32>
      }
      %scan3A_108 = arith.constant 25 : i32
      %swap3A = arith.index_cast %add3A_51 : i32 to index
      %swap3A_109 = arith.constant 0 : index
      %swap3A_110 = tpu.vector_load %arg8[%swap3A, %swap3A_109] {strides = array<i32>} : memref<128x64xf32, #tpu.memory_space<vmem>>, vector<1x16xf32>,
      %swap3A_111 = vector.shape_cast %swap3A_110 : vector<1x16xf32> to vector<16xf32>
      %swap3A_112 = vector.shape_cast %scan3A_107#0 : vector<16xf32> to vector<1x16xf32>
      tpu.vector_store %arg8[%swap3A, %swap3A_109], %swap3A_112 {strides = array<i32>} : memref<128x64xf32, #tpu.memory_space<vmem>>, vector<1x16xf32>,
      %swap3A_113 = arith.index_cast %add3A_51 : i32 to index
      %swap3A_114 = arith.constant 16 : index
      %swap3A_115 = tpu.vector_load %arg8[%swap3A_113, %swap3A_114] {strides = array<i32>} : memref<128x64xf32, #tpu.memory_space<vmem>>, vector<1x16xf32>,
      %swap3A_116 = vector.shape_cast %swap3A_115 : vector<1x16xf32> to vector<16xf32>
      %swap3A_117 = vector.shape_cast %scan3A_107#1 : vector<16xf32> to vector<1x16xf32>
      tpu.vector_store %arg8[%swap3A_113, %swap3A_114], %swap3A_117 {strides = array<i32>} : memref<128x64xf32, #tpu.memory_space<vmem>>, vector<1x16xf32>,
      %swap3A_118 = arith.index_cast %add3A_51 : i32 to index
      %swap3A_119 = arith.constant 32 : index
      %swap3A_120 = tpu.vector_load %arg8[%swap3A_118, %swap3A_119] {strides = array<i32>} : memref<128x64xf32, #tpu.memory_space<vmem>>, vector<1x16xf32>,
      %swap3A_121 = vector.shape_cast %swap3A_120 : vector<1x16xf32> to vector<16xf32>
      %swap3A_122 = vector.shape_cast %scan3A_107#2 : vector<16xf32> to vector<1x16xf32>
      tpu.vector_store %arg8[%swap3A_118, %swap3A_119], %swap3A_122 {strides = array<i32>} : memref<128x64xf32, #tpu.memory_space<vmem>>, vector<1x16xf32>,
      %swap3A_123 = arith.index_cast %add3A_51 : i32 to index
      %swap3A_124 = arith.constant 48 : index
      %swap3A_125 = tpu.vector_load %arg8[%swap3A_123, %swap3A_124] {strides = array<i32>} : memref<128x64xf32, #tpu.memory_space<vmem>>, vector<1x16xf32>,
      %swap3A_126 = vector.shape_cast %swap3A_125 : vector<1x16xf32> to vector<16xf32>
      %swap3A_127 = vector.shape_cast %scan3A_107#3 : vector<16xf32> to vector<1x16xf32>
      tpu.vector_store %arg8[%swap3A_123, %swap3A_124], %swap3A_127 {strides = array<i32>} : memref<128x64xf32, #tpu.memory_space<vmem>>, vector<1x16xf32>,
      %add3A_128 = arith.constant 2 : i32
      %add3A_129 = arith.addi %add3A_51, %add3A_128 : i32
      %jit3A = arith.constant 128 : i32
      %eq3A = arith.constant 0 : i32
      %eq3A_130 = arith.cmpi eq, %jit3A, %eq3A : i32
      %jit3A_131 = arith.constant 1 : i32
      %select_n3A = arith.select %eq3A_130, %jit3A_131, %jit3A : i32
      %rem3A = arith.remsi %add3A_129, %select_n3A : i32
      %ne3A = arith.constant 0 : i32
      %ne3A_132 = arith.cmpi ne, %rem3A, %ne3A : i32
      %lt3A = arith.constant 0 : i32
      %lt3A_133 = arith.cmpi slt, %rem3A, %lt3A : i32
      %lt3A_134 = arith.constant 0 : i32
      %lt3A_135 = arith.cmpi slt, %select_n3A, %lt3A_134 : i32
      %ne3A_136 = arith.xori %lt3A_133, %lt3A_135 : i1
      %and3A = arith.andi %ne3A_136, %ne3A_132 : i1
      %add3A_137 = arith.addi %rem3A, %select_n3A : i32
      %select_n3A_138 = arith.select %and3A, %add3A_137, %rem3A : i32
      %mul3A_139 = arith.constant 2 : i32
      %mul3A_140 = arith.muli %select_n3A_138, %mul3A_139 : i32
      %dma_start3A_141 = arith.constant 0 : i32
      %dma_start3A_142 = arith.constant 0 : i32
      %dma_start3A_143 = tpu.memref_slice %arg6[%dma_start3A_141, %dma_start3A_142] : memref<200x64xf32, #tpu.memory_space<vmem>> -> memref<100x64xf32, #tpu.memory_space<vmem>>
      %dma_start3A_144 = arith.constant 0 : i32
      %dma_start3A_145 = tpu.memref_slice %arg5[%mul3A_140, %dma_start3A_144] : memref<256x100xi32, #tpu.memory_space<vmem>> -> memref<1x100xi32, #tpu.memory_space<vmem>>
      %dma_start3A_146 = tpu.memref_squeeze %dma_start3A_145 : memref<1x100xi32, #tpu.memory_space<vmem>> -> memref<100xi32, #tpu.memory_space<vmem>>
      %dma_start3A_147 = arith.constant 0 : i32
      %dma_start3A_148 = arith.constant 0 : i32
      %dma_start3A_149 = tpu.memref_slice %arg3[%dma_start3A_147, %dma_start3A_148] : memref<1000000x64xf32, #tpu.memory_space<hbm>> -> memref<1000000x64xf32, #tpu.memory_space<hbm>>
      tpu.enqueue_indirect_dma source(%dma_start3A_149 : memref<1000000x64xf32, #tpu.memory_space<hbm>>) target(%dma_start3A_143 : memref<100x64xf32, #tpu.memory_space<vmem>>) offsets(%dma_start3A_146 : memref<100xi32, #tpu.memory_space<vmem>>) semaphore(%arg9 : memref<!tpu.dma_semaphore, #tpu.memory_space<semaphore_mem>>)
      %add3A_150 = arith.constant 1 : i32
      %add3A_151 = arith.addi %mul3A_140, %add3A_150 : i32
      %dma_start3A_152 = arith.constant 100 : i32
      %dma_start3A_153 = arith.constant 0 : i32
      %dma_start3A_154 = tpu.memref_slice %arg6[%dma_start3A_152, %dma_start3A_153] : memref<200x64xf32, #tpu.memory_space<vmem>> -> memref<100x64xf32, #tpu.memory_space<vmem>>
      %dma_start3A_155 = arith.constant 0 : i32
      %dma_start3A_156 = tpu.memref_slice %arg5[%add3A_151, %dma_start3A_155] : memref<256x100xi32, #tpu.memory_space<vmem>> -> memref<1x100xi32, #tpu.memory_space<vmem>>
      %dma_start3A_157 = tpu.memref_squeeze %dma_start3A_156 : memref<1x100xi32, #tpu.memory_space<vmem>> -> memref<100xi32, #tpu.memory_space<vmem>>
      %dma_start3A_158 = arith.constant 0 : i32
      %dma_start3A_159 = arith.constant 0 : i32
      %dma_start3A_160 = tpu.memref_slice %arg3[%dma_start3A_158, %dma_start3A_159] : memref<1000000x64xf32, #tpu.memory_space<hbm>> -> memref<1000000x64xf32, #tpu.memory_space<hbm>>
      tpu.enqueue_indirect_dma source(%dma_start3A_160 : memref<1000000x64xf32, #tpu.memory_space<hbm>>) target(%dma_start3A_154 : memref<100x64xf32, #tpu.memory_space<vmem>>) offsets(%dma_start3A_157 : memref<100xi32, #tpu.memory_space<vmem>>) semaphore(%arg9 : memref<!tpu.dma_semaphore, #tpu.memory_space<semaphore_mem>>)
      %dma_wait3A_161 = arith.constant 0 : i32
      %dma_wait3A_162 = arith.constant 0 : i32
      %dma_wait3A_163 = arith.constant 0 : i32
      %dma_wait3A_164 = tpu.memref_slice %arg7[%dma_wait3A_162, %dma_wait3A_163] : memref<200x64xf32, #tpu.memory_space<vmem>> -> memref<100x64xf32, #tpu.memory_space<vmem>>
      %dma_wait3A_165 = arith.constant 0 : i32
      %dma_wait3A_166 = tpu.memref_slice %arg5[%dma_wait3A_161, %dma_wait3A_165] : memref<256x100xi32, #tpu.memory_space<vmem>> -> memref<1x100xi32, #tpu.memory_space<vmem>>
      %dma_wait3A_167 = tpu.memref_squeeze %dma_wait3A_166 : memref<1x100xi32, #tpu.memory_space<vmem>> -> memref<100xi32, #tpu.memory_space<vmem>>
      %dma_wait3A_168 = arith.constant 0 : i32
      %dma_wait3A_169 = arith.constant 0 : i32
      %dma_wait3A_170 = tpu.memref_slice %arg3[%dma_wait3A_168, %dma_wait3A_169] : memref<1000000x64xf32, #tpu.memory_space<hbm>> -> memref<1000000x64xf32, #tpu.memory_space<hbm>>
      tpu.wait_indirect_dma semaphore(%arg10 : memref<!tpu.dma_semaphore, #tpu.memory_space<semaphore_mem>>) src(%dma_wait3A_170 : memref<1000000x64xf32, #tpu.memory_space<hbm>>) dst(%dma_wait3A_164 : memref<100x64xf32, #tpu.memory_space<vmem>>)
      %dma_wait3A_171 = arith.constant 0 : i32
      %dma_wait3A_172 = arith.constant 100 : i32
      %dma_wait3A_173 = arith.constant 0 : i32
      %dma_wait3A_174 = tpu.memref_slice %arg7[%dma_wait3A_172, %dma_wait3A_173] : memref<200x64xf32, #tpu.memory_space<vmem>> -> memref<100x64xf32, #tpu.memory_space<vmem>>
      %dma_wait3A_175 = arith.constant 0 : i32
      %dma_wait3A_176 = tpu.memref_slice %arg5[%dma_wait3A_171, %dma_wait3A_175] : memref<256x100xi32, #tpu.memory_space<vmem>> -> memref<1x100xi32, #tpu.memory_space<vmem>>
      %dma_wait3A_177 = tpu.memref_squeeze %dma_wait3A_176 : memref<1x100xi32, #tpu.memory_space<vmem>> -> memref<100xi32, #tpu.memory_space<vmem>>
      %dma_wait3A_178 = arith.constant 0 : i32
      %dma_wait3A_179 = arith.constant 0 : i32
      %dma_wait3A_180 = tpu.memref_slice %arg3[%dma_wait3A_178, %dma_wait3A_179] : memref<1000000x64xf32, #tpu.memory_space<hbm>> -> memref<1000000x64xf32, #tpu.memory_space<hbm>>
      tpu.wait_indirect_dma semaphore(%arg10 : memref<!tpu.dma_semaphore, #tpu.memory_space<semaphore_mem>>) src(%dma_wait3A_180 : memref<1000000x64xf32, #tpu.memory_space<hbm>>) dst(%dma_wait3A_174 : memref<100x64xf32, #tpu.memory_space<vmem>>)
      %add3A_181 = arith.constant 1 : i32
      %add3A_182 = arith.addi %add3A_51, %add3A_181 : i32
      %broadcast_in_dim3A_183 = arith.constant 0.000000e+00 : f32
      %broadcast_in_dim3A_184 = vector.broadcast %broadcast_in_dim3A_183 : f32 to vector<16xf32>
      %broadcast_in_dim3A_185 = arith.constant 0.000000e+00 : f32
      %broadcast_in_dim3A_186 = vector.broadcast %broadcast_in_dim3A_185 : f32 to vector<16xf32>
      %broadcast_in_dim3A_187 = arith.constant 0.000000e+00 : f32
      %broadcast_in_dim3A_188 = vector.broadcast %broadcast_in_dim3A_187 : f32 to vector<16xf32>
      %broadcast_in_dim3A_189 = arith.constant 0.000000e+00 : f32
      %broadcast_in_dim3A_190 = vector.broadcast %broadcast_in_dim3A_189 : f32 to vector<16xf32>
      %scan3A_191 = arith.constant 0 : i32
      %scan3A_192 = arith.constant 25 : i32
      %scan3A_193 = arith.addi %scan3A_191, %scan3A_192 : i32
      %scan3A_194 = arith.constant 1 : i32
      %scan3A_195:4 = scf.for %scan3A_217 = %scan3A_191 to %scan3A_193 step %scan3A_194 iter_args(%scan3A_218 = %broadcast_in_dim3A_184, %scan3A_219 = %broadcast_in_dim3A_186, %scan3A_220 = %broadcast_in_dim3A_188, %scan3A_221 = %broadcast_in_dim3A_190) -> (vector<16xf32>, vector<16xf32>, vector<16xf32>, vector<16xf32>)  : i32 {
        %mul3A_222 = arith.constant 8 : i32
        %mul3A_223 = arith.muli %scan3A_217, %mul3A_222 : i32
        %add3A_224 = arith.constant 0 : i32
        %add3A_225 = arith.addi %mul3A_223, %add3A_224 : i32
        %get3A = arith.index_cast %add3A_225 : i32 to index
        %get3A_226 = arith.constant 0 : index
        %get3A_227 = tpu.vector_load %arg7[%get3A, %get3A_226] {strides = array<i32>} : memref<200x64xf32, #tpu.memory_space<vmem>>, vector<1x16xf32>,
        %get3A_228 = vector.shape_cast %get3A_227 : vector<1x16xf32> to vector<16xf32>
        %add3A_229 = arith.addf %scan3A_218, %get3A_228 : vector<16xf32>
        %add3A_230 = arith.constant 1 : i32
        %add3A_231 = arith.addi %mul3A_223, %add3A_230 : i32
        %get3A_232 = arith.index_cast %add3A_231 : i32 to index
        %get3A_233 = arith.constant 0 : index
        %get3A_234 = tpu.vector_load %arg7[%get3A_232, %get3A_233] {strides = array<i32>} : memref<200x64xf32, #tpu.memory_space<vmem>>, vector<1x16xf32>,
        %get3A_235 = vector.shape_cast %get3A_234 : vector<1x16xf32> to vector<16xf32>
        %add3A_236 = arith.addf %add3A_229, %get3A_235 : vector<16xf32>
        %add3A_237 = arith.constant 2 : i32
        %add3A_238 = arith.addi %mul3A_223, %add3A_237 : i32
        %get3A_239 = arith.index_cast %add3A_238 : i32 to index
        %get3A_240 = arith.constant 0 : index
        %get3A_241 = tpu.vector_load %arg7[%get3A_239, %get3A_240] {strides = array<i32>} : memref<200x64xf32, #tpu.memory_space<vmem>>, vector<1x16xf32>,
        %get3A_242 = vector.shape_cast %get3A_241 : vector<1x16xf32> to vector<16xf32>
        %add3A_243 = arith.addf %add3A_236, %get3A_242 : vector<16xf32>
        %add3A_244 = arith.constant 3 : i32
        %add3A_245 = arith.addi %mul3A_223, %add3A_244 : i32
        %get3A_246 = arith.index_cast %add3A_245 : i32 to index
        %get3A_247 = arith.constant 0 : index
        %get3A_248 = tpu.vector_load %arg7[%get3A_246, %get3A_247] {strides = array<i32>} : memref<200x64xf32, #tpu.memory_space<vmem>>, vector<1x16xf32>,
        %get3A_249 = vector.shape_cast %get3A_248 : vector<1x16xf32> to vector<16xf32>
        %add3A_250 = arith.addf %add3A_243, %get3A_249 : vector<16xf32>
        %add3A_251 = arith.constant 4 : i32
        %add3A_252 = arith.addi %mul3A_223, %add3A_251 : i32
        %get3A_253 = arith.index_cast %add3A_252 : i32 to index
        %get3A_254 = arith.constant 0 : index
        %get3A_255 = tpu.vector_load %arg7[%get3A_253, %get3A_254] {strides = array<i32>} : memref<200x64xf32, #tpu.memory_space<vmem>>, vector<1x16xf32>,
        %get3A_256 = vector.shape_cast %get3A_255 : vector<1x16xf32> to vector<16xf32>
        %add3A_257 = arith.addf %add3A_250, %get3A_256 : vector<16xf32>
        %add3A_258 = arith.constant 5 : i32
        %add3A_259 = arith.addi %mul3A_223, %add3A_258 : i32
        %get3A_260 = arith.index_cast %add3A_259 : i32 to index
        %get3A_261 = arith.constant 0 : index
        %get3A_262 = tpu.vector_load %arg7[%get3A_260, %get3A_261] {strides = array<i32>} : memref<200x64xf32, #tpu.memory_space<vmem>>, vector<1x16xf32>,
        %get3A_263 = vector.shape_cast %get3A_262 : vector<1x16xf32> to vector<16xf32>
        %add3A_264 = arith.addf %add3A_257, %get3A_263 : vector<16xf32>
        %add3A_265 = arith.constant 6 : i32
        %add3A_266 = arith.addi %mul3A_223, %add3A_265 : i32
        %get3A_267 = arith.index_cast %add3A_266 : i32 to index
        %get3A_268 = arith.constant 0 : index
        %get3A_269 = tpu.vector_load %arg7[%get3A_267, %get3A_268] {strides = array<i32>} : memref<200x64xf32, #tpu.memory_space<vmem>>, vector<1x16xf32>,
        %get3A_270 = vector.shape_cast %get3A_269 : vector<1x16xf32> to vector<16xf32>
        %add3A_271 = arith.addf %add3A_264, %get3A_270 : vector<16xf32>
        %add3A_272 = arith.constant 7 : i32
        %add3A_273 = arith.addi %mul3A_223, %add3A_272 : i32
        %get3A_274 = arith.index_cast %add3A_273 : i32 to index
        %get3A_275 = arith.constant 0 : index
        %get3A_276 = tpu.vector_load %arg7[%get3A_274, %get3A_275] {strides = array<i32>} : memref<200x64xf32, #tpu.memory_space<vmem>>, vector<1x16xf32>,
        %get3A_277 = vector.shape_cast %get3A_276 : vector<1x16xf32> to vector<16xf32>
        %add3A_278 = arith.addf %add3A_271, %get3A_277 : vector<16xf32>
        %add3A_279 = arith.constant 0 : i32
        %add3A_280 = arith.addi %mul3A_223, %add3A_279 : i32
        %get3A_281 = arith.index_cast %add3A_280 : i32 to index
        %get3A_282 = arith.constant 16 : index
        %get3A_283 = tpu.vector_load %arg7[%get3A_281, %get3A_282] {strides = array<i32>} : memref<200x64xf32, #tpu.memory_space<vmem>>, vector<1x16xf32>,
        %get3A_284 = vector.shape_cast %get3A_283 : vector<1x16xf32> to vector<16xf32>
        %add3A_285 = arith.addf %scan3A_219, %get3A_284 : vector<16xf32>
        %add3A_286 = arith.constant 1 : i32
        %add3A_287 = arith.addi %mul3A_223, %add3A_286 : i32
        %get3A_288 = arith.index_cast %add3A_287 : i32 to index
        %get3A_289 = arith.constant 16 : index
        %get3A_290 = tpu.vector_load %arg7[%get3A_288, %get3A_289] {strides = array<i32>} : memref<200x64xf32, #tpu.memory_space<vmem>>, vector<1x16xf32>,
        %get3A_291 = vector.shape_cast %get3A_290 : vector<1x16xf32> to vector<16xf32>
        %add3A_292 = arith.addf %add3A_285, %get3A_291 : vector<16xf32>
        %add3A_293 = arith.constant 2 : i32
        %add3A_294 = arith.addi %mul3A_223, %add3A_293 : i32
        %get3A_295 = arith.index_cast %add3A_294 : i32 to index
        %get3A_296 = arith.constant 16 : index
        %get3A_297 = tpu.vector_load %arg7[%get3A_295, %get3A_296] {strides = array<i32>} : memref<200x64xf32, #tpu.memory_space<vmem>>, vector<1x16xf32>,
        %get3A_298 = vector.shape_cast %get3A_297 : vector<1x16xf32> to vector<16xf32>
        %add3A_299 = arith.addf %add3A_292, %get3A_298 : vector<16xf32>
        %add3A_300 = arith.constant 3 : i32
        %add3A_301 = arith.addi %mul3A_223, %add3A_300 : i32
        %get3A_302 = arith.index_cast %add3A_301 : i32 to index
        %get3A_303 = arith.constant 16 : index
        %get3A_304 = tpu.vector_load %arg7[%get3A_302, %get3A_303] {strides = array<i32>} : memref<200x64xf32, #tpu.memory_space<vmem>>, vector<1x16xf32>,
        %get3A_305 = vector.shape_cast %get3A_304 : vector<1x16xf32> to vector<16xf32>
        %add3A_306 = arith.addf %add3A_299, %get3A_305 : vector<16xf32>
        %add3A_307 = arith.constant 4 : i32
        %add3A_308 = arith.addi %mul3A_223, %add3A_307 : i32
        %get3A_309 = arith.index_cast %add3A_308 : i32 to index
        %get3A_310 = arith.constant 16 : index
        %get3A_311 = tpu.vector_load %arg7[%get3A_309, %get3A_310] {strides = array<i32>} : memref<200x64xf32, #tpu.memory_space<vmem>>, vector<1x16xf32>,
        %get3A_312 = vector.shape_cast %get3A_311 : vector<1x16xf32> to vector<16xf32>
        %add3A_313 = arith.addf %add3A_306, %get3A_312 : vector<16xf32>
        %add3A_314 = arith.constant 5 : i32
        %add3A_315 = arith.addi %mul3A_223, %add3A_314 : i32
        %get3A_316 = arith.index_cast %add3A_315 : i32 to index
        %get3A_317 = arith.constant 16 : index
        %get3A_318 = tpu.vector_load %arg7[%get3A_316, %get3A_317] {strides = array<i32>} : memref<200x64xf32, #tpu.memory_space<vmem>>, vector<1x16xf32>,
        %get3A_319 = vector.shape_cast %get3A_318 : vector<1x16xf32> to vector<16xf32>
        %add3A_320 = arith.addf %add3A_313, %get3A_319 : vector<16xf32>
        %add3A_321 = arith.constant 6 : i32
        %add3A_322 = arith.addi %mul3A_223, %add3A_321 : i32
        %get3A_323 = arith.index_cast %add3A_322 : i32 to index
        %get3A_324 = arith.constant 16 : index
        %get3A_325 = tpu.vector_load %arg7[%get3A_323, %get3A_324] {strides = array<i32>} : memref<200x64xf32, #tpu.memory_space<vmem>>, vector<1x16xf32>,
        %get3A_326 = vector.shape_cast %get3A_325 : vector<1x16xf32> to vector<16xf32>
        %add3A_327 = arith.addf %add3A_320, %get3A_326 : vector<16xf32>
        %add3A_328 = arith.constant 7 : i32
        %add3A_329 = arith.addi %mul3A_223, %add3A_328 : i32
        %get3A_330 = arith.index_cast %add3A_329 : i32 to index
        %get3A_331 = arith.constant 16 : index
        %get3A_332 = tpu.vector_load %arg7[%get3A_330, %get3A_331] {strides = array<i32>} : memref<200x64xf32, #tpu.memory_space<vmem>>, vector<1x16xf32>,
        %get3A_333 = vector.shape_cast %get3A_332 : vector<1x16xf32> to vector<16xf32>
        %add3A_334 = arith.addf %add3A_327, %get3A_333 : vector<16xf32>
        %add3A_335 = arith.constant 0 : i32
        %add3A_336 = arith.addi %mul3A_223, %add3A_335 : i32
        %get3A_337 = arith.index_cast %add3A_336 : i32 to index
        %get3A_338 = arith.constant 32 : index
        %get3A_339 = tpu.vector_load %arg7[%get3A_337, %get3A_338] {strides = array<i32>} : memref<200x64xf32, #tpu.memory_space<vmem>>, vector<1x16xf32>,
        %get3A_340 = vector.shape_cast %get3A_339 : vector<1x16xf32> to vector<16xf32>
        %add3A_341 = arith.addf %scan3A_220, %get3A_340 : vector<16xf32>
        %add3A_342 = arith.constant 1 : i32
        %add3A_343 = arith.addi %mul3A_223, %add3A_342 : i32
        %get3A_344 = arith.index_cast %add3A_343 : i32 to index
        %get3A_345 = arith.constant 32 : index
        %get3A_346 = tpu.vector_load %arg7[%get3A_344, %get3A_345] {strides = array<i32>} : memref<200x64xf32, #tpu.memory_space<vmem>>, vector<1x16xf32>,
        %get3A_347 = vector.shape_cast %get3A_346 : vector<1x16xf32> to vector<16xf32>
        %add3A_348 = arith.addf %add3A_341, %get3A_347 : vector<16xf32>
        %add3A_349 = arith.constant 2 : i32
        %add3A_350 = arith.addi %mul3A_223, %add3A_349 : i32
        %get3A_351 = arith.index_cast %add3A_350 : i32 to index
        %get3A_352 = arith.constant 32 : index
        %get3A_353 = tpu.vector_load %arg7[%get3A_351, %get3A_352] {strides = array<i32>} : memref<200x64xf32, #tpu.memory_space<vmem>>, vector<1x16xf32>,
        %get3A_354 = vector.shape_cast %get3A_353 : vector<1x16xf32> to vector<16xf32>
        %add3A_355 = arith.addf %add3A_348, %get3A_354 : vector<16xf32>
        %add3A_356 = arith.constant 3 : i32
        %add3A_357 = arith.addi %mul3A_223, %add3A_356 : i32
        %get3A_358 = arith.index_cast %add3A_357 : i32 to index
        %get3A_359 = arith.constant 32 : index
        %get3A_360 = tpu.vector_load %arg7[%get3A_358, %get3A_359] {strides = array<i32>} : memref<200x64xf32, #tpu.memory_space<vmem>>, vector<1x16xf32>,
        %get3A_361 = vector.shape_cast %get3A_360 : vector<1x16xf32> to vector<16xf32>
        %add3A_362 = arith.addf %add3A_355, %get3A_361 : vector<16xf32>
        %add3A_363 = arith.constant 4 : i32
        %add3A_364 = arith.addi %mul3A_223, %add3A_363 : i32
        %get3A_365 = arith.index_cast %add3A_364 : i32 to index
        %get3A_366 = arith.constant 32 : index
        %get3A_367 = tpu.vector_load %arg7[%get3A_365, %get3A_366] {strides = array<i32>} : memref<200x64xf32, #tpu.memory_space<vmem>>, vector<1x16xf32>,
        %get3A_368 = vector.shape_cast %get3A_367 : vector<1x16xf32> to vector<16xf32>
        %add3A_369 = arith.addf %add3A_362, %get3A_368 : vector<16xf32>
        %add3A_370 = arith.constant 5 : i32
        %add3A_371 = arith.addi %mul3A_223, %add3A_370 : i32
        %get3A_372 = arith.index_cast %add3A_371 : i32 to index
        %get3A_373 = arith.constant 32 : index
        %get3A_374 = tpu.vector_load %arg7[%get3A_372, %get3A_373] {strides = array<i32>} : memref<200x64xf32, #tpu.memory_space<vmem>>, vector<1x16xf32>,
        %get3A_375 = vector.shape_cast %get3A_374 : vector<1x16xf32> to vector<16xf32>
        %add3A_376 = arith.addf %add3A_369, %get3A_375 : vector<16xf32>
        %add3A_377 = arith.constant 6 : i32
        %add3A_378 = arith.addi %mul3A_223, %add3A_377 : i32
        %get3A_379 = arith.index_cast %add3A_378 : i32 to index
        %get3A_380 = arith.constant 32 : index
        %get3A_381 = tpu.vector_load %arg7[%get3A_379, %get3A_380] {strides = array<i32>} : memref<200x64xf32, #tpu.memory_space<vmem>>, vector<1x16xf32>,
        %get3A_382 = vector.shape_cast %get3A_381 : vector<1x16xf32> to vector<16xf32>
        %add3A_383 = arith.addf %add3A_376, %get3A_382 : vector<16xf32>
        %add3A_384 = arith.constant 7 : i32
        %add3A_385 = arith.addi %mul3A_223, %add3A_384 : i32
        %get3A_386 = arith.index_cast %add3A_385 : i32 to index
        %get3A_387 = arith.constant 32 : index
        %get3A_388 = tpu.vector_load %arg7[%get3A_386, %get3A_387] {strides = array<i32>} : memref<200x64xf32, #tpu.memory_space<vmem>>, vector<1x16xf32>,
        %get3A_389 = vector.shape_cast %get3A_388 : vector<1x16xf32> to vector<16xf32>
        %add3A_390 = arith.addf %add3A_383, %get3A_389 : vector<16xf32>
        %add3A_391 = arith.constant 0 : i32
        %add3A_392 = arith.addi %mul3A_223, %add3A_391 : i32
        %get3A_393 = arith.index_cast %add3A_392 : i32 to index
        %get3A_394 = arith.constant 48 : index
        %get3A_395 = tpu.vector_load %arg7[%get3A_393, %get3A_394] {strides = array<i32>} : memref<200x64xf32, #tpu.memory_space<vmem>>, vector<1x16xf32>,
        %get3A_396 = vector.shape_cast %get3A_395 : vector<1x16xf32> to vector<16xf32>
        %add3A_397 = arith.addf %scan3A_221, %get3A_396 : vector<16xf32>
        %add3A_398 = arith.constant 1 : i32
        %add3A_399 = arith.addi %mul3A_223, %add3A_398 : i32
        %get3A_400 = arith.index_cast %add3A_399 : i32 to index
        %get3A_401 = arith.constant 48 : index
        %get3A_402 = tpu.vector_load %arg7[%get3A_400, %get3A_401] {strides = array<i32>} : memref<200x64xf32, #tpu.memory_space<vmem>>, vector<1x16xf32>,
        %get3A_403 = vector.shape_cast %get3A_402 : vector<1x16xf32> to vector<16xf32>
        %add3A_404 = arith.addf %add3A_397, %get3A_403 : vector<16xf32>
        %add3A_405 = arith.constant 2 : i32
        %add3A_406 = arith.addi %mul3A_223, %add3A_405 : i32
        %get3A_407 = arith.index_cast %add3A_406 : i32 to index
        %get3A_408 = arith.constant 48 : index
        %get3A_409 = tpu.vector_load %arg7[%get3A_407, %get3A_408] {strides = array<i32>} : memref<200x64xf32, #tpu.memory_space<vmem>>, vector<1x16xf32>,
        %get3A_410 = vector.shape_cast %get3A_409 : vector<1x16xf32> to vector<16xf32>
        %add3A_411 = arith.addf %add3A_404, %get3A_410 : vector<16xf32>
        %add3A_412 = arith.constant 3 : i32
        %add3A_413 = arith.addi %mul3A_223, %add3A_412 : i32
        %get3A_414 = arith.index_cast %add3A_413 : i32 to index
        %get3A_415 = arith.constant 48 : index
        %get3A_416 = tpu.vector_load %arg7[%get3A_414, %get3A_415] {strides = array<i32>} : memref<200x64xf32, #tpu.memory_space<vmem>>, vector<1x16xf32>,
        %get3A_417 = vector.shape_cast %get3A_416 : vector<1x16xf32> to vector<16xf32>
        %add3A_418 = arith.addf %add3A_411, %get3A_417 : vector<16xf32>
        %add3A_419 = arith.constant 4 : i32
        %add3A_420 = arith.addi %mul3A_223, %add3A_419 : i32
        %get3A_421 = arith.index_cast %add3A_420 : i32 to index
        %get3A_422 = arith.constant 48 : index
        %get3A_423 = tpu.vector_load %arg7[%get3A_421, %get3A_422] {strides = array<i32>} : memref<200x64xf32, #tpu.memory_space<vmem>>, vector<1x16xf32>,
        %get3A_424 = vector.shape_cast %get3A_423 : vector<1x16xf32> to vector<16xf32>
        %add3A_425 = arith.addf %add3A_418, %get3A_424 : vector<16xf32>
        %add3A_426 = arith.constant 5 : i32
        %add3A_427 = arith.addi %mul3A_223, %add3A_426 : i32
        %get3A_428 = arith.index_cast %add3A_427 : i32 to index
        %get3A_429 = arith.constant 48 : index
        %get3A_430 = tpu.vector_load %arg7[%get3A_428, %get3A_429] {strides = array<i32>} : memref<200x64xf32, #tpu.memory_space<vmem>>, vector<1x16xf32>,
        %get3A_431 = vector.shape_cast %get3A_430 : vector<1x16xf32> to vector<16xf32>
        %add3A_432 = arith.addf %add3A_425, %get3A_431 : vector<16xf32>
        %add3A_433 = arith.constant 6 : i32
        %add3A_434 = arith.addi %mul3A_223, %add3A_433 : i32
        %get3A_435 = arith.index_cast %add3A_434 : i32 to index
        %get3A_436 = arith.constant 48 : index
        %get3A_437 = tpu.vector_load %arg7[%get3A_435, %get3A_436] {strides = array<i32>} : memref<200x64xf32, #tpu.memory_space<vmem>>, vector<1x16xf32>,
        %get3A_438 = vector.shape_cast %get3A_437 : vector<1x16xf32> to vector<16xf32>
        %add3A_439 = arith.addf %add3A_432, %get3A_438 : vector<16xf32>
        %add3A_440 = arith.constant 7 : i32
        %add3A_441 = arith.addi %mul3A_223, %add3A_440 : i32
        %get3A_442 = arith.index_cast %add3A_441 : i32 to index
        %get3A_443 = arith.constant 48 : index
        %get3A_444 = tpu.vector_load %arg7[%get3A_442, %get3A_443] {strides = array<i32>} : memref<200x64xf32, #tpu.memory_space<vmem>>, vector<1x16xf32>,
        %get3A_445 = vector.shape_cast %get3A_444 : vector<1x16xf32> to vector<16xf32>
        %add3A_446 = arith.addf %add3A_439, %get3A_445 : vector<16xf32>
        scf.yield %add3A_278, %add3A_334, %add3A_390, %add3A_446 : vector<16xf32>, vector<16xf32>, vector<16xf32>, vector<16xf32>
      }
      %scan3A_196 = arith.constant 25 : i32
      %swap3A_197 = arith.index_cast %add3A_182 : i32 to index
      %swap3A_198 = arith.constant 0 : index
      %swap3A_199 = tpu.vector_load %arg8[%swap3A_197, %swap3A_198] {strides = array<i32>} : memref<128x64xf32, #tpu.memory_space<vmem>>, vector<1x16xf32>,
      %swap3A_200 = vector.shape_cast %swap3A_199 : vector<1x16xf32> to vector<16xf32>
      %swap3A_201 = vector.shape_cast %scan3A_195#0 : vector<16xf32> to vector<1x16xf32>
      tpu.vector_store %arg8[%swap3A_197, %swap3A_198], %swap3A_201 {strides = array<i32>} : memref<128x64xf32, #tpu.memory_space<vmem>>, vector<1x16xf32>,
      %swap3A_202 = arith.index_cast %add3A_182 : i32 to index
      %swap3A_203 = arith.constant 16 : index
      %swap3A_204 = tpu.vector_load %arg8[%swap3A_202, %swap3A_203] {strides = array<i32>} : memref<128x64xf32, #tpu.memory_space<vmem>>, vector<1x16xf32>,
      %swap3A_205 = vector.shape_cast %swap3A_204 : vector<1x16xf32> to vector<16xf32>
      %swap3A_206 = vector.shape_cast %scan3A_195#1 : vector<16xf32> to vector<1x16xf32>
      tpu.vector_store %arg8[%swap3A_202, %swap3A_203], %swap3A_206 {strides = array<i32>} : memref<128x64xf32, #tpu.memory_space<vmem>>, vector<1x16xf32>,
      %swap3A_207 = arith.index_cast %add3A_182 : i32 to index
      %swap3A_208 = arith.constant 32 : index
      %swap3A_209 = tpu.vector_load %arg8[%swap3A_207, %swap3A_208] {strides = array<i32>} : memref<128x64xf32, #tpu.memory_space<vmem>>, vector<1x16xf32>,
      %swap3A_210 = vector.shape_cast %swap3A_209 : vector<1x16xf32> to vector<16xf32>
      %swap3A_211 = vector.shape_cast %scan3A_195#2 : vector<16xf32> to vector<1x16xf32>
      tpu.vector_store %arg8[%swap3A_207, %swap3A_208], %swap3A_211 {strides = array<i32>} : memref<128x64xf32, #tpu.memory_space<vmem>>, vector<1x16xf32>,
      %swap3A_212 = arith.index_cast %add3A_182 : i32 to index
      %swap3A_213 = arith.constant 48 : index
      %swap3A_214 = tpu.vector_load %arg8[%swap3A_212, %swap3A_213] {strides = array<i32>} : memref<128x64xf32, #tpu.memory_space<vmem>>, vector<1x16xf32>,
      %swap3A_215 = vector.shape_cast %swap3A_214 : vector<1x16xf32> to vector<16xf32>
      %swap3A_216 = vector.shape_cast %scan3A_195#3 : vector<16xf32> to vector<1x16xf32>
      tpu.vector_store %arg8[%swap3A_212, %swap3A_213], %swap3A_216 {strides = array<i32>} : memref<128x64xf32, #tpu.memory_space<vmem>>, vector<1x16xf32>,
    }
    %scan3A_25 = arith.constant 64 : i32
    %dma_wait3A = arith.constant 0 : i32
    %dma_wait3A_26 = arith.constant 0 : i32
    %dma_wait3A_27 = arith.constant 0 : i32
    %dma_wait3A_28 = tpu.memref_slice %arg6[%dma_wait3A_26, %dma_wait3A_27] : memref<200x64xf32, #tpu.memory_space<vmem>> -> memref<100x64xf32, #tpu.memory_space<vmem>>
    %dma_wait3A_29 = arith.constant 0 : i32
    %dma_wait3A_30 = tpu.memref_slice %arg5[%dma_wait3A, %dma_wait3A_29] : memref<256x100xi32, #tpu.memory_space<vmem>> -> memref<1x100xi32, #tpu.memory_space<vmem>>
    %dma_wait3A_31 = tpu.memref_squeeze %dma_wait3A_30 : memref<1x100xi32, #tpu.memory_space<vmem>> -> memref<100xi32, #tpu.memory_space<vmem>>
    %dma_wait3A_32 = arith.constant 0 : i32
    %dma_wait3A_33 = arith.constant 0 : i32
    %dma_wait3A_34 = tpu.memref_slice %arg3[%dma_wait3A_32, %dma_wait3A_33] : memref<1000000x64xf32, #tpu.memory_space<hbm>> -> memref<1000000x64xf32, #tpu.memory_space<hbm>>
    tpu.wait_indirect_dma semaphore(%arg9 : memref<!tpu.dma_semaphore, #tpu.memory_space<semaphore_mem>>) src(%dma_wait3A_34 : memref<1000000x64xf32, #tpu.memory_space<hbm>>) dst(%dma_wait3A_28 : memref<100x64xf32, #tpu.memory_space<vmem>>)
    %dma_wait3A_35 = arith.constant 0 : i32
    %dma_wait3A_36 = arith.constant 100 : i32
    %dma_wait3A_37 = arith.constant 0 : i32
    %dma_wait3A_38 = tpu.memref_slice %arg6[%dma_wait3A_36, %dma_wait3A_37] : memref<200x64xf32, #tpu.memory_space<vmem>> -> memref<100x64xf32, #tpu.memory_space<vmem>>
    %dma_wait3A_39 = arith.constant 0 : i32
    %dma_wait3A_40 = tpu.memref_slice %arg5[%dma_wait3A_35, %dma_wait3A_39] : memref<256x100xi32, #tpu.memory_space<vmem>> -> memref<1x100xi32, #tpu.memory_space<vmem>>
    %dma_wait3A_41 = tpu.memref_squeeze %dma_wait3A_40 : memref<1x100xi32, #tpu.memory_space<vmem>> -> memref<100xi32, #tpu.memory_space<vmem>>
    %dma_wait3A_42 = arith.constant 0 : i32
    %dma_wait3A_43 = arith.constant 0 : i32
    %dma_wait3A_44 = tpu.memref_slice %arg3[%dma_wait3A_42, %dma_wait3A_43] : memref<1000000x64xf32, #tpu.memory_space<hbm>> -> memref<1000000x64xf32, #tpu.memory_space<hbm>>
    tpu.wait_indirect_dma semaphore(%arg9 : memref<!tpu.dma_semaphore, #tpu.memory_space<semaphore_mem>>) src(%dma_wait3A_44 : memref<1000000x64xf32, #tpu.memory_space<hbm>>) dst(%dma_wait3A_38 : memref<100x64xf32, #tpu.memory_space<vmem>>)
    %mul3A_45 = arith.constant 128 : i32
    %mul3A_46 = arith.muli %add3A, %mul3A_45 : i32
    "tpu.region"() ({
      %run_scoped3A = tpu.sem_alloc : memref<!tpu.dma_semaphore, #tpu.memory_space<semaphore_mem>>
      %dma_start3A_47 = arith.constant 0 : i32
      %dma_start3A_48 = tpu.memref_slice %arg4[%mul3A_46, %dma_start3A_47] : memref<4096x64xf32, #tpu.memory_space<hbm>> -> memref<128x64xf32, #tpu.memory_space<hbm>>
      %dma_start3A_49 = arith.constant 0 : i32
      %dma_start3A_50 = tpu.memref_slice %arg4[%mul3A_46, %dma_start3A_49] : memref<4096x64xf32, #tpu.memory_space<hbm>> -> memref<128x64xf32, #tpu.memory_space<hbm>>
      tpu.enqueue_dma source(%arg8 : memref<128x64xf32, #tpu.memory_space<vmem>>) target(%dma_start3A_50 : memref<128x64xf32, #tpu.memory_space<hbm>>) target_semaphore(%run_scoped3A : memref<!tpu.dma_semaphore, #tpu.memory_space<semaphore_mem>>)
      %dma_wait3A_51 = arith.constant 0 : i32
      %dma_wait3A_52 = tpu.memref_slice %arg4[%mul3A_46, %dma_wait3A_51] : memref<4096x64xf32, #tpu.memory_space<hbm>> -> memref<128x64xf32, #tpu.memory_space<hbm>>
      %dma_wait3A_53 = arith.constant 0 : i32
      %dma_wait3A_54 = tpu.memref_slice %arg4[%mul3A_46, %dma_wait3A_53] : memref<4096x64xf32, #tpu.memory_space<hbm>> -> memref<128x64xf32, #tpu.memory_space<hbm>>
      tpu.wait_dma2 semaphore(%run_scoped3A : memref<!tpu.dma_semaphore, #tpu.memory_space<semaphore_mem>>) src(%arg8 : memref<128x64xf32, #tpu.memory_space<vmem>>) dst(%dma_wait3A_54 : memref<128x64xf32, #tpu.memory_space<hbm>>)
      tpu.yield
    }) : () -> ()
    return
  }
}

module attributes {stable_mosaic.version = 14 : i64} {
  func.func @_tc_linear_kernel(%arg0: memref<4096x64xf32, #tpu.memory_space<vmem>>, %arg1: memref<2x64xf32, #tpu.memory_space<vmem>>, %arg2: memref<1x2xf32, #tpu.memory_space<vmem>>, %arg3: memref<4096x2xf32, #tpu.memory_space<vmem>>) attributes {dimension_semantics = [], scalar_prefetch = 0 : i64, scratch_operands = 0 : i64, tpu.core_type = #tpu.core_type<tc>} {
    %get3A = arith.constant 0 : index
    %get3A_0 = arith.constant 0 : index
    %get3A_1 = vector.load %arg0[%get3A, %get3A_0] : memref<4096x64xf32, #tpu.memory_space<vmem>>, vector<4096x64xf32>
    %get3A_2 = arith.constant 0 : index
    %get3A_3 = arith.constant 0 : index
    %get3A_4 = vector.load %arg1[%get3A_2, %get3A_3] : memref<2x64xf32, #tpu.memory_space<vmem>>, vector<2x64xf32>
    %dot_general3A = arith.constant dense<0.000000e+00> : vector<4096x2xf32>
    %dot_general3A_5 = tpu.matmul %get3A_1, %get3A_4, %dot_general3A {dimension_numbers = #tpu.dot_dimension_numbers<[1], [1], [0], [0], [0, 0, 1, 0], [], []>, transpose_lhs_hint = false} : vector<4096x64xf32>, vector<2x64xf32>, vector<4096x2xf32> -> vector<4096x2xf32>
    %get3A_6 = arith.constant 0 : index
    %get3A_7 = arith.constant 0 : index
    %get3A_8 = vector.load %arg2[%get3A_6, %get3A_7] : memref<1x2xf32, #tpu.memory_space<vmem>>, vector<1x2xf32>
    %add3A = vector.broadcast %get3A_8 : vector<1x2xf32> to vector<4096x2xf32>
    %add3A_9 = arith.addf %dot_general3A_5, %add3A : vector<4096x2xf32>
    %swap3A = arith.constant 0 : index
    %swap3A_10 = arith.constant 0 : index
    %swap3A_11 = vector.load %arg3[%swap3A, %swap3A_10] : memref<4096x2xf32, #tpu.memory_space<vmem>>, vector<4096x2xf32>
    tpu.vector_store %arg3[%swap3A, %swap3A_10], %add3A_9 {strides = array<i32>} : memref<4096x2xf32, #tpu.memory_space<vmem>>, vector<4096x2xf32>,
    return
  }
}

</mosaic_0001>

<sc_bundles>
// kernel: kernel.4.cloned.1.call-start
scs
__scs_entry_jumppad:
0x0: {  	(pc) =	sbr.rel $0x88, $3  }
0x1: {  	(tag) =	ssettag $0x0;
	lr =	simm.s32 $0x1  }
0x2: {  	[smem:$0x3F9D] =	sst lr;
	_ =	strace $0xD0000000  }
0x3: {  	_ = 	snop  }
0x4: {  	_ = 	snop  }
0x5: {  	_ = 	snop  }
0x6: {  	_ = 	snop  }
0x7: {  	_ = 	snop  }
__scs_overlays_trampoline_lowered:
0x8: {  	[smem:$0x3FAC] =	sst s0  }
0x9: {  	[smem:$0x3FAD] =	sst s1  }
0xa: {  	[smem:$0x3FAE] =	sst s2  }
0xb: {  	[smem:$0x3FAF] =	sst s3  }
0xc: {  	[smem:$0x3FB0] =	sst s4  }
0xd: {  	[smem:$0x3FB1] =	sst s5  }
0xe: {  	[smem:$0x3FB2] =	sst s6  }
0xf: {  	[smem:$0x3FB3] =	sst s7  }
0x10: {  	[smem:$0x3FB4] =	sst s8  }
0x11: {  	[smem:$0x3FB5] =	sst s9;
	s0 =	simm.s32 @!p0 $0x0  }
0x12: {  	s1 =	sld [smem:$0x3F9B];
	s0 =	simm.s32 @p0 $0x1  }
0x13: {  	[smem:$0x3FB6] =	sst s0;
	s0 =	simm.s32 @!p1 $0x0  }
0x14: {  	s2 =	sld [smem:$0x3F9A];
	s0 =	simm.s32 @p1 $0x1  }
0x15: {  	[smem:$0x3FB7] =	sst s0;
	s0 =	simm.s32 @!p2 $0x0  }
0x16: {  	s3 =	sld [smem:$0x3FDB];
	s0 =	simm.s32 @p2 $0x1  }
0x17: {  	s4 =	simm.s32 $0x1BF5;
	[smem:$0x3FB9] =	sst s0  }
0x18: {  	s0 =	sld [smem:$0x3F9C];
	_ =	swait.ge [sflag:s4], $0x0  }
0x19: {  	s7 =	sld [smem:$0x3F9D]  }
0x1a: {  	s8 =	sadd.s32 $0xFFFFE003, lr  }
0x1b: {  	s9 =	sadd.s32 $0xFFFFFEF7, lr;
	s5 =	simm.s32 $0xFFFFFFFF;
	p2 =	slt.u32 s8, $0xFFFFF086  }
0x1c: {  	p1 =	slt.u32 s9, $0xF7A;
	s5 =	simm.s32 @!p2 $0x0  }
0x1d: {  	s5 =	simm.s32 @p1 $0x1;
	p0 =	seq.s32 s7, s2  }
0x1e: {  	s7 =	smul.u32 @!p0 $0xF7A, s2;
	p2 =	seq.s32 @!p0 s5, $0x0  }
0x1f: {  	s9 =	smul.u32 $0xF7A, s1;
	s8 =	simm.s32 @!p0 $0x1BF5;
	p2 =	por !p2, p0  }
0x20: {  	[sflag:s8] =	ssyncset.s32 @!p0 $0xFFFFF086;
	s6 =	sadd.s32 @!p0 s3, s7;
	s7 =	simm.s32 @!p0 $0x108  }
0x21: {  	s3 =	sadd.s32 s3, s9;
	s6 =	sadd.s32 @!p0 $0x88, s6;
	s7 =	simm.s32 @p2 $0x1082  }
0x22: {  	[simem:s7], [sflag:s8] =	dma.local @!p0 [hbm:s6], $0xF7A  }
0x23: {  	s9 =	sor.u32 $0xD0000000, s2;
	s6 =	simm.s32 $0x108;
	_ =	swait.ge @!p0 [sflag:s8], $0x0  }
0x24: {  	s3 =	sadd.s32 $0x88, s3;
	s6 =	simm.s32 @!p1 $0x1082;
	[sflag:s4] =	ssyncset.s32 $0xFFFFF086  }
0x25: {  	[simem:s6], [sflag:s4] =	dma.local [hbm:s3], $0xF7A  }
0x26: {  	[smem:$0x3F9D] =	sst s1;
	(tag) =	ssettag s2;
	_ =	strace s9  }
0x27: {  	s1 =	sld [smem:$0x3FAD]  }
0x28: {  	s2 =	sld [smem:$0x3FAE]  }
0x29: {  	s4 =	sld [smem:$0x3FB0]  }
0x2a: {  	p0 =	seq.s32 s5, $0x0;
	s5 =	sld [smem:$0x3FB1]  }
0x2b: {  	s6 =	sld [smem:$0x3FB2]  }
0x2c: {  	s7 =	sld [smem:$0x3FB3]  }
0x2d: {  	s3 =	simm.s32 $0x108;
	s8 =	sld [smem:$0x3FB4]  }
0x2e: {  	s3 =	simm.s32 @!p0 $0x1082;
	s9 =	sld [smem:$0x3FB5]  }
0x2f: {  	lr =	sadd.s32 s0, s3;
	s0 =	sld [smem:$0x3FAC]  }
0x30: {  	s3 =	sld [smem:$0x3FAF]  }
0x31: {  	[smem:$0x3FB8] =	sst s10  }
0x32: {  	s10 =	sld [smem:$0x3FB6];
	_ =	sdelay $0x3  }
0x33: {  	p0 =	seq.s32 s10, $0x1;
	s10 =	sld [smem:$0x3FB8];
	_ =	sdelay $0x3  }
0x34: {  	[smem:$0x3FB8] =	sst s10  }
0x35: {  	s10 =	sld [smem:$0x3FB7];
	_ =	sdelay $0x3  }
0x36: {  	p1 =	seq.s32 s10, $0x1;
	s10 =	sld [smem:$0x3FB8];
	_ =	sdelay $0x3  }
0x37: {  	[smem:$0x3FB8] =	sst s10  }
0x38: {  	s10 =	sld [smem:$0x3FB9]  }
0x39: {  	_ = 	snop;
	(pc) =	sbr.ind lr, $3  }
0x3a: {  	_ = 	snop  }
0x3b: {  	_ = 	snop  }
0x3c: {  	p2 =	seq.s32 s10, $0x1;
	s10 =	sld [smem:$0x3FB8]  }
0x3d: {  	_ =	shalt  }
0x3e: {  	_ =	shalt  }
0x3f: {  	_ =	shalt  }
0x40: {  	_ =	shalt  }
0x41: {  	_ =	shalt  }
0x42: {  	_ =	shalt  }
0x43: {  	_ =	shalt  }
0x44: {  	_ =	shalt  }
0x45: {  	_ =	shalt  }
0x46: {  	_ =	shalt  }
0x47: {  	_ =	shalt  }
0x48: {  	_ =	shalt  }
0x49: {  	_ =	shalt  }
0x4a: {  	_ =	shalt  }
0x4b: {  	_ =	shalt  }
0x4c: {  	_ =	shalt  }
0x4d: {  	_ =	shalt  }
0x4e: {  	_ =	shalt  }
0x4f: {  	_ =	shalt  }
0x50: {  	_ =	shalt  }
0x51: {  	_ =	shalt  }
0x52: {  	_ =	shalt  }
0x53: {  	_ =	shalt  }
0x54: {  	_ =	shalt  }
0x55: {  	_ =	shalt  }
0x56: {  	_ =	shalt  }
0x57: {  	_ =	shalt  }
0x58: {  	_ =	shalt  }
0x59: {  	_ =	shalt  }
0x5a: {  	_ =	shalt  }
0x5b: {  	_ =	shalt  }
0x5c: {  	_ =	shalt  }
0x5d: {  	_ =	shalt  }
0x5e: {  	_ =	shalt  }
0x5f: {  	_ =	shalt  }
0x60: {  	_ =	shalt  }
0x61: {  	_ =	shalt  }
0x62: {  	_ =	shalt  }
0x63: {  	_ =	shalt  }
0x64: {  	_ =	shalt  }
0x65: {  	_ =	shalt  }
0x66: {  	_ =	shalt  }
0x67: {  	_ =	shalt  }
0x68: {  	_ =	shalt  }
0x69: {  	_ =	shalt  }
0x6a: {  	_ =	shalt  }
0x6b: {  	_ =	shalt  }
0x6c: {  	_ =	shalt  }
0x6d: {  	_ =	shalt  }
0x6e: {  	_ =	shalt  }
0x6f: {  	_ =	shalt  }
0x70: {  	_ =	shalt  }
0x71: {  	_ =	shalt  }
0x72: {  	_ =	shalt  }
0x73: {  	_ =	shalt  }
0x74: {  	_ =	shalt  }
0x75: {  	_ =	shalt  }
0x76: {  	_ =	shalt  }
0x77: {  	_ =	shalt  }
0x78: {  	_ =	shalt  }
0x79: {  	_ =	shalt  }
0x7a: {  	_ =	shalt  }
0x7b: {  	_ =	shalt  }
0x7c: {  	_ =	shalt  }
0x7d: {  	_ =	shalt  }
0x7e: {  	_ =	shalt  }
0x7f: {  	_ =	shalt  }
0x80: {  	_ =	shalt  }
0x81: {  	_ =	shalt  }
0x82: {  	_ =	shalt  }
0x83: {  	_ =	shalt  }
0x84: {  	_ =	shalt  }
0x85: {  	_ =	shalt  }
0x86: {  	_ =	shalt  }
0x87: {  	_ =	shalt  }
.Lfunc_end0:
.L_simem_size_0:
called_computation_lowered:
.L_overlay_start_0:
0x88: {  	s2 =	sld [smem:$0x3FD9]  }
0x89: {  	s3 =	sld [smem:$0x3FFE];
	_ =	sdelay $0x1  }
0x8a: {  	s1 =	srdreg.scid  }
0x8b: {  	s0 =	sand.u32 $0x1, s1  }
0x8c: {  	s16 =	sshll.u32 s0, $0xA;
	s2 =	sadd.s32 s3, s2  }
0x8d: {  	s2 =	sadd.s32 s2, s16  }
0x8e: {  	[smem:$0x3FC4] =	sst s2  }
0x8f: {  	_ = 	snop  }
0x90: {  	(tm) =	ssettm $0x1  }
0x91: {  	s17 =	sld [smem:$0x3FFB];
	_ =	sdelay $0x3  }
0x92: {  	_ =	strace s17  }
0x93: {  	s2 =	sld [smem:$0x3FFC];
	_ =	sdelay $0x3  }
0x94: {  	_ =	strace s2  }
0x95: {  	s2 =	sld [smem:$0x3FFD];
	_ =	sdelay $0x3  }
0x96: {  	_ =	strace s2  }
0x97: {  	_ =	strace $0x8FFFFFFF  }
0x98: {  	s18 =	sld [smem:$0x3FDB];
	_ =	sdelay $0x1  }
0x99: {  	s19 =	simm.s32 $_scs_section_size  }
0x9a: {  	s4 =	simm.s32 $_size__tile_overlayer_lowered;
	s5 =	simm.s32 $_tile_overlayer_lowered  }
0x9b: {  	s22 =	simm.s32 $0x1BFF;
	s21 =	sshll.u32 s5, $0x1;
	s2 =	sadd.s32 s19, s18  }
0x9c: {  	s6 =	simm.s32 $0x0;
	s20 =	sshll.u32 s4, $0x1;
	s4 =	sadd.s32 s21, s2  }
0x9d: {  	[timem:s6], [sflag:s22] =	dma.local [hbm:s4], s20  }
0x9e: {  	_ =	swait.ge [sflag:s22], s20  }
0x9f: {  	s3 =	ssub.s32 $0x0, s20;
	[sflag:s22] =	ssyncset.done $0x0  }
0xa0: {  	[sflag:s22] =	ssyncadd.s32 s3;
	_ =	sdelay $0x1  }
0xa1: {  	s23 =	simm.s32 $0x1B8B  }
0xa2: {  	_ =	swait.ge [sflag:s23], $0x1  }
0xa3: {  	[sflag:s23] =	ssyncset.done $0x0  }
0xa4: {  	s25 =	simm.s32 $0x1B8E;
	s24 =	sld [smem:$0x3FFE];
	[sflag:s23] =	ssyncadd.s32 $0xFFFFFFFF  }
0xa5: {  	s26 =	simm.s32 $execute0_lowered;
	[smem:$0x3FD2] =	sst s25  }
0xa6: {  	s4 =	sshll.u32 s26, $0x1;
	_ =	strace $0x80000046;
	[dreg:$0x1] =	wrdreg $0xFFFFFFFF  }
0xa7: {  	s28 =	simm.s32 $_size_execute0_lowered;
	s2 =	sadd.s32 s2, s4;
	[dreg:$0x0] =	wrdreg $0x0  }
0xa8: {  	s4 =	sshll.u32 s28, $0x1;
	[dreg:$0x2] =	wrdreg s2  }
0xa9: {  	[dreg:$0x3] =	wrdreg s4  }
0xaa: {  	[dreg:$0x4] =	wrdreg $0xC0  }
0xab: {  	_ =	task [dreg:s6], $0x5FFFF  }
0xac: {  	[dreg:$0x1] =	wrdreg $0xFFFFFFFF  }
0xad: {  	[dreg:$0x0] =	wrdreg $0x60  }
0xae: {  	[dreg:$0x2] =	wrdreg s24  }
0xaf: {  	[dreg:$0x3] =	wrdreg $0x9  }
0xb0: {  	_ =	task.clear_ibuf [dreg:s6], $0x4FFFF;
	_ =	strace $0x90000046  }
0xb1: {  	s29 =	simm.s32 $0x9;
	_ =	strace $0x80000048  }
0xb2: {  	_ =	swait.ge [sflag:s29], $0x1  }
0xb3: {  	[sflag:s29] =	ssyncadd.s32 $0xFFFFFFFF  }
0xb4: {  	_ =	strace $0x90000048  }
0xb5: {  	_ =	sfence  }
0xb6: {  	s30 =	sld [smem:$0x0];
	_ =	sdelay $0x2  }
0xb7: {  	s31 =	sshll.u32 s1, $0xD;
	s1 =	sshrl.u32 s1, $0x2  }
0xb8: {  	s3 =	sand.u32 $0x4000, s31;
	s1 =	sadd.s32 s1, s30  }
0xb9: {  	s0 =	sor.u32 s3, s0;
	s1 =	sshll.u32 s1, $0x11  }
0xba: {  	s0 =	sor.u32 s1, s0  }
0xbb: {  	s0 =	sadd.s32 $0x8F2B, s0  }
0xbc: {  	[sflag:s0] =	ssyncadd.remote.s32 $0x1  }
0xbd: {  	_ =	sfence.sel $0xFFFF  }
0xbe: {  	[dreg:$0x0] =	wrdreg $0xFFFFFFFF;
	(pc) =	sbr.abs _section_cstart, $3  }
0xbf: {  	[dreg:$0x1] =	wrdreg $0xFFFFFFFF  }
0xc0: {  	_ =	task.clear_ibuf [dreg:s6], $0x2FFFF;
	_ =	strace $0x9FFFFFFF  }
0xc1: {  	(tm) =	ssettm $0x7FFFFFFF  }
tec
execute0_lowered:
.L_overlay_start_1:
0x0: {  	(tag) =	ssettag $0x1  }
0x1: {  	s1 =	srdreg.scid;
	s0 =	stileid.u32  }
0x2: {  	s4 =	rddreg [dreg:$0x0];
	s2 =	simm.s32 $0x0;
	s8 =	simm.s32 $0x64  }
0x3: {  	s9 =	simm.s32 $0x6800;
	s10 =	simm.s32 $0x68;
	s11 =	simm.s32 $0x8100  }
0x4: {  	s12 =	simm.s32 $0x9A00;
	s13 =	simm.s32 $0xB300;
	s14 =	simm.s32 $0x1  }
0x5: {  	s15 =	simm.s32 $0x2;
	s16 =	simm.s32 $0xCC00;
	s17 =	simm.s32 $0x0  }
0x6: {  	s3 =	sand.u32 $0x1, s1;
	s5 =	sshll.u32 s0, $0x1;
	[smem:$0x7FF] =	sst s2  }
0x7: {  	s1 =	rddreg [dreg:$0x1];
	s5 =	sor.u32 s3, s5;
	_ =	strace $0x80000047  }
0x8: {  	s7 =	ssub.s32 $0x2, s3;
	s6 =	smul.u32 $0xD00, s5;
	s5 =	sshll.u32 s5, $0xA  }
0x9: {  	s3 =	sadd.s32 $0xF42E00, s4;
	s31 =	sshrl.u32 s7, $0x1;
	s5 =	sadd.s32 s5, s4  }
0xa: {  	s7 =	ssub.s32 s7, s31;
	s6 =	sadd.s32 s6, s4;
	s5 =	sadd.s32 $0x1AA00, s5  }
0xb: {  	s4 =	sadd.s32 $0xA00, s6;
	s6 =	smax.u32 s7, $0x1;
	s7 =	simm.s32 $0x3  }
.LBB2_1:
0xc: {  	[tilespmem:s2], [sflag:$0x3] =	stream.linear.gather [hbm4b:s4+s2], $0x6800, $0x38;
	[tilespmem:$0xEC00] =	vst v63  }
0xd: {  	_ =	swait.ge [sflag:s7], $0x6800  }
0xe: {  	[sflag:s7] =	ssyncset.done $0x0  }
0xf: {  	[sflag:s7] =	ssyncadd.s32 $0xFFFF9800  }
0x10: {  	[tilespmem:s9], [sflag:$0x1] =	stream.indirect.gather [hbm4b:s3+s8], $0x40, s2, s8, $0xb8;
	[tilespmem:$0xEC00] =	vst v63  }
0x11: {  	s18 =	simm.s32 $0x0  }
0x12: {  	[tilespmem:s11], [sflag:$0x1] =	stream.indirect.gather [hbm4b:s3+s8], $0x40, s10, s8, $0xb8;
	[tilespmem:$0xEC00] =	vst v63  }
.LBB2_2:
0x13: {  	s19 =	sshllo.u32 s18, $0x1  }
0x14: {  	s20 =	smul.u32 $0x340, s19;
	_ =	sdelay $0x1  }
0x15: {  	s20 =	sshra.s32 s20, $0x2  }
0x16: {  	[tilespmem:s12], [sflag:$0x2] =	stream.indirect.gather [hbm4b:s3+s8], $0x40, s20, s8, $0xb8;
	[tilespmem:$0xEC00] =	vst v63  }
0x17: {  	s20 =	sadd.s32 $0x68, s20  }
0x18: {  	[tilespmem:s13], [sflag:$0x2] =	stream.indirect.gather [hbm4b:s3+s8], $0x40, s20, s8, $0xb8;
	[tilespmem:$0xEC00] =	vst v63  }
0x19: {  	_ =	swait.ge [sflag:s14], $0x1900  }
0x1a: {  	[sflag:s14] =	ssyncset.done $0x0  }
0x1b: {  	[sflag:s14] =	ssyncadd.s32 $0xFFFFE700  }
0x1c: {  	_ =	swait.ge [sflag:s14], $0x1900  }
0x1d: {  	[sflag:s14] =	ssyncset.done $0x0  }
0x1e: {  	s20 =	simm.s32 $0x0;
	[sflag:s14] =	ssyncadd.s32 $0xFFFFE700  }
0x1f: {  	v1 =	vld [tilespmem:s20+$0x69C0]  }
0x20: {  	v0 =	vld [tilespmem:s20+$0x69D0]  }
0x21: {  	v2 =	vld [tilespmem:s20+$0x6980]  }
0x22: {  	v3 =	vld [tilespmem:s20+$0x6990]  }
0x23: {  	v4 =	vld [tilespmem:s20+$0x6940]  }
0x24: {  	v5 =	vld [tilespmem:s20+$0x6950]  }
0x25: {  	v6 =	vld [tilespmem:s20+$0x6900]  }
0x26: {  	v7 =	vld [tilespmem:s20+$0x6910]  }
0x27: {  	v9 =	vld [tilespmem:s20+$0x68C0]  }
0x28: {  	v8 =	vld [tilespmem:s20+$0x68D0]  }
0x29: {  	v11 =	vld [tilespmem:s20+$0x6880]  }
0x2a: {  	v10 =	vld [tilespmem:s20+$0x6890]  }
0x2b: {  	v17 =	vld [tilespmem:s20+$0x6840]  }
0x2c: {  	v16 =	vld [tilespmem:s20+$0x6850]  }
0x2d: {  	v19 =	vld [tilespmem:s20+$0x6800]  }
0x2e: {  	v13 =	vimm.f32 $0.0e+00;
	v20 =	vld [tilespmem:s20+$0x6810]  }
0x2f: {  	s21 =	simm.s32 $0x800;
	v15 =	vimm.f32 $0.0e+00;
	v14 =	vimm.f32 $0.0e+00;
	v12 =	vimm.f32 $0.0e+00;
	v18 =	vld [tilespmem:s20+$0x6820]  }
.LBB2_3:
0x30: {  	p0 =	sne.s32 s21, $0xC000;
	v21 =	vld [tilespmem:s20+$0x6830]  }
0x31: {  	v22 =	vld [tilespmem:s20+$0x6860]  }
0x32: {  	v23 =	vld [tilespmem:s20+$0x6870]  }
0x33: {  	v24 =	vld [tilespmem:s20+$0x68A0]  }
0x34: {  	v13 =	vadd.f32 v19, v13;
	v15 =	vadd.f32 v20, v15;
	v19 =	vld [tilespmem:s20+$0x68B0]  }
0x35: {  	v14 =	vadd.f32 v18, v14;
	v18 =	vld [tilespmem:s20+$0x68E0];
	v12 =	vadd.f32 v21, v12  }
0x36: {  	v13 =	vadd.f32 v17, v13;
	v15 =	vadd.f32 v16, v15;
	v16 =	vld [tilespmem:s20+$0x68F0]  }
0x37: {  	v14 =	vadd.f32 v22, v14;
	v17 =	vld [tilespmem:s20+$0x6920];
	v12 =	vadd.f32 v23, v12  }
0x38: {  	v11 =	vadd.f32 v11, v13;
	v10 =	vadd.f32 v10, v15;
	v13 =	vld [tilespmem:s20+$0x6930]  }
0x39: {  	v14 =	vadd.f32 v24, v14;
	v15 =	vld [tilespmem:s20+$0x6960];
	v12 =	vadd.f32 v19, v12  }
0x3a: {  	v9 =	vadd.f32 v9, v11;
	v8 =	vadd.f32 v8, v10;
	v10 =	vld [tilespmem:s20+$0x6970]  }
0x3b: {  	v11 =	vadd.f32 v18, v14;
	v14 =	vld [tilespmem:s20+$0x69A0];
	v12 =	vadd.f32 v16, v12  }
0x3c: {  	v6 =	vadd.f32 v6, v9;
	v7 =	vadd.f32 v7, v8;
	v8 =	vld [tilespmem:s20+$0x69B0]  }
0x3d: {  	v9 =	vadd.f32 v17, v11;
	v11 =	vld [tilespmem:s20+$0x69E0];
	v12 =	vadd.f32 v13, v12  }
0x3e: {  	v4 =	vadd.f32 v4, v6;
	v5 =	vadd.f32 v5, v7;
	v6 =	vld [tilespmem:s20+$0x69F0];
	s20 =	sshra.s32 s21, $0x2  }
0x3f: {  	v9 =	vadd.f32 v15, v9;
	v7 =	vld [tilespmem:s20+$0x69C0];
	v10 =	vadd.f32 v10, v12  }
0x40: {  	v4 =	vadd.f32 v2, v4;
	v5 =	vadd.f32 v3, v5;
	v16 =	vld [tilespmem:s20+$0x69D0]  }
0x41: {  	v9 =	vadd.f32 v14, v9;
	v2 =	vld [tilespmem:s20+$0x6980];
	v8 =	vadd.f32 v8, v10  }
0x42: {  	v13 =	vadd.f32 v1, v4;
	v15 =	vadd.f32 v0, v5;
	v3 =	vld [tilespmem:s20+$0x6990]  }
0x43: {  	v14 =	vadd.f32 v11, v9;
	v4 =	vld [tilespmem:s20+$0x6940];
	v12 =	vadd.f32 v6, v8  }
0x44: {  	v5 =	vld [tilespmem:s20+$0x6950];
	v1 =	vmov v7  }
0x45: {  	v6 =	vld [tilespmem:s20+$0x6900];
	v0 =	vmov v16  }
0x46: {  	v7 =	vld [tilespmem:s20+$0x6910]  }
0x47: {  	v9 =	vld [tilespmem:s20+$0x68C0]  }
0x48: {  	v8 =	vld [tilespmem:s20+$0x68D0]  }
0x49: {  	v11 =	vld [tilespmem:s20+$0x6880]  }
0x4a: {  	v10 =	vld [tilespmem:s20+$0x6890]  }
.Ltmp0:
0x4b: {  	v17 =	vld [tilespmem:s20+$0x6840];
	(pc) =	sbr.rel @p0 .LBB2_3-.Ltmp0, $4  }
0x4c: {  	v16 =	vld [tilespmem:s20+$0x6850]  }
0x4d: {  	v19 =	vld [tilespmem:s20+$0x6800]  }
0x4e: {  	v20 =	vld [tilespmem:s20+$0x6810]  }
0x4f: {  	s21 =	sadd.s32 $0x800, s21;
	v18 =	vld [tilespmem:s20+$0x6820]  }
0x50: {  	v21 =	vld [tilespmem:s20+$0x6830]  }
0x51: {  	v22 =	vld [tilespmem:s20+$0x6860]  }
0x52: {  	v23 =	vld [tilespmem:s20+$0x6870];
	v13 =	vadd.f32 v19, v13  }
0x53: {  	v19 =	vld [tilespmem:s20+$0x68A0];
	v15 =	vadd.f32 v20, v15  }
0x54: {  	v20 =	vld [tilespmem:s20+$0x68B0];
	v14 =	vadd.f32 v18, v14;
	v13 =	vadd.f32 v17, v13  }
0x55: {  	v17 =	vld [tilespmem:s20+$0x68E0];
	v12 =	vadd.f32 v21, v12;
	v15 =	vadd.f32 v16, v15  }
0x56: {  	v16 =	vld [tilespmem:s20+$0x68F0];
	v14 =	vadd.f32 v22, v14;
	v11 =	vadd.f32 v11, v13  }
0x57: {  	v13 =	vld [tilespmem:s20+$0x6920];
	v12 =	vadd.f32 v23, v12;
	v10 =	vadd.f32 v10, v15  }
0x58: {  	v15 =	vld [tilespmem:s20+$0x6930];
	v14 =	vadd.f32 v19, v14;
	v9 =	vadd.f32 v9, v11  }
0x59: {  	v11 =	vld [tilespmem:s20+$0x6960];
	v12 =	vadd.f32 v20, v12;
	v8 =	vadd.f32 v8, v10  }
0x5a: {  	v10 =	vld [tilespmem:s20+$0x6970];
	v14 =	vadd.f32 v17, v14;
	v6 =	vadd.f32 v6, v9  }
0x5b: {  	v9 =	vld [tilespmem:s20+$0x69A0];
	v12 =	vadd.f32 v16, v12;
	v7 =	vadd.f32 v7, v8  }
0x5c: {  	v8 =	vld [tilespmem:s20+$0x69B0];
	v13 =	vadd.f32 v13, v14;
	v4 =	vadd.f32 v4, v6  }
0x5d: {  	v6 =	vld [tilespmem:s20+$0x69E0];
	v12 =	vadd.f32 v15, v12;
	v5 =	vadd.f32 v5, v7  }
0x5e: {  	v7 =	vld [tilespmem:s20+$0x69F0];
	v11 =	vadd.f32 v11, v13;
	v2 =	vadd.f32 v2, v4  }
0x5f: {  	v4 =	vadd.f32 v10, v12;
	v3 =	vadd.f32 v3, v5  }
0x60: {  	s30 =	sshll.u32 s18, $0x7;
	s21 =	sshll.u32 s18, $0x2;
	v5 =	vadd.f32 v9, v11;
	v1 =	vadd.f32 v1, v2  }
0x61: {  	s21 =	sadd.s32 $0x4, s21;
	s20 =	sand.u32 $0x3FFFFF80, s30;
	v2 =	vadd.f32 v8, v4;
	v0 =	vadd.f32 v0, v3  }
0x62: {  	s21 =	sand.u32 $0xFC, s21;
	v3 =	vadd.f32 v6, v5;
	[tilespmem:s20+$0xCC00] =	vst v1  }
0x63: {  	s21 =	smul.u32 $0x1A0, s21;
	v1 =	vadd.f32 v7, v2;
	[tilespmem:s20+$0xCC10] =	vst v0  }
0x64: {  	[tilespmem:s20+$0xCC20] =	vst v3  }
0x65: {  	s31 =	sshrl.u32 s21, $0x2;
	[tilespmem:s20+$0xCC30] =	vst v1  }
0x66: {  	[tilespmem:s9], [sflag:$0x1] =	stream.indirect.gather [hbm4b:s3+s8], $0x40, s31, s8, $0xb8;
	[tilespmem:$0xEC00] =	vst v63  }
0x67: {  	s20 =	sadd.s32 $0x68, s31  }
0x68: {  	[tilespmem:s11], [sflag:$0x1] =	stream.indirect.gather [hbm4b:s3+s8], $0x40, s20, s8, $0xb8;
	[tilespmem:$0xEC00] =	vst v63  }
0x69: {  	_ =	swait.ge [sflag:s15], $0x1900  }
0x6a: {  	[sflag:s15] =	ssyncset.done $0x0  }
0x6b: {  	[sflag:s15] =	ssyncadd.s32 $0xFFFFE700  }
0x6c: {  	_ =	swait.ge [sflag:s15], $0x1900  }
0x6d: {  	[sflag:s15] =	ssyncset.done $0x0  }
0x6e: {  	s20 =	simm.s32 $0x0;
	[sflag:s15] =	ssyncadd.s32 $0xFFFFE700  }
0x6f: {  	v0 =	vld [tilespmem:s20+$0x9BC0]  }
0x70: {  	v1 =	vld [tilespmem:s20+$0x9BD0]  }
0x71: {  	v2 =	vld [tilespmem:s20+$0x9B80]  }
0x72: {  	v3 =	vld [tilespmem:s20+$0x9B90]  }
0x73: {  	v4 =	vld [tilespmem:s20+$0x9B40]  }
0x74: {  	v5 =	vld [tilespmem:s20+$0x9B50]  }
0x75: {  	v6 =	vld [tilespmem:s20+$0x9B00]  }
0x76: {  	v7 =	vld [tilespmem:s20+$0x9B10]  }
0x77: {  	v9 =	vld [tilespmem:s20+$0x9AC0]  }
0x78: {  	v8 =	vld [tilespmem:s20+$0x9AD0]  }
0x79: {  	v11 =	vld [tilespmem:s20+$0x9A80]  }
0x7a: {  	v10 =	vld [tilespmem:s20+$0x9A90]  }
0x7b: {  	v17 =	vld [tilespmem:s20+$0x9A40]  }
0x7c: {  	v16 =	vld [tilespmem:s20+$0x9A50]  }
0x7d: {  	v19 =	vld [tilespmem:s20+$0x9A00]  }
0x7e: {  	v14 =	vimm.f32 $0.0e+00;
	v20 =	vld [tilespmem:s20+$0x9A10]  }
0x7f: {  	s21 =	simm.s32 $0x800;
	v15 =	vimm.f32 $0.0e+00;
	v13 =	vimm.f32 $0.0e+00;
	v12 =	vimm.f32 $0.0e+00;
	v18 =	vld [tilespmem:s20+$0x9A20]  }
.LBB2_5:
0x80: {  	p0 =	sne.s32 s21, $0xC000;
	v21 =	vld [tilespmem:s20+$0x9A30]  }
0x81: {  	v22 =	vld [tilespmem:s20+$0x9A60]  }
0x82: {  	v23 =	vld [tilespmem:s20+$0x9A70]  }
0x83: {  	v24 =	vld [tilespmem:s20+$0x9AA0]  }
0x84: {  	v13 =	vadd.f32 v19, v13;
	v15 =	vadd.f32 v20, v15;
	v19 =	vld [tilespmem:s20+$0x9AB0]  }
0x85: {  	v14 =	vadd.f32 v18, v14;
	v18 =	vld [tilespmem:s20+$0x9AE0];
	v12 =	vadd.f32 v21, v12  }
0x86: {  	v13 =	vadd.f32 v17, v13;
	v15 =	vadd.f32 v16, v15;
	v16 =	vld [tilespmem:s20+$0x9AF0]  }
0x87: {  	v14 =	vadd.f32 v22, v14;
	v17 =	vld [tilespmem:s20+$0x9B20];
	v12 =	vadd.f32 v23, v12  }
0x88: {  	v11 =	vadd.f32 v11, v13;
	v10 =	vadd.f32 v10, v15;
	v13 =	vld [tilespmem:s20+$0x9B30]  }
0x89: {  	v14 =	vadd.f32 v24, v14;
	v15 =	vld [tilespmem:s20+$0x9B60];
	v12 =	vadd.f32 v19, v12  }
0x8a: {  	v9 =	vadd.f32 v9, v11;
	v8 =	vadd.f32 v8, v10;
	v10 =	vld [tilespmem:s20+$0x9B70]  }
0x8b: {  	v11 =	vadd.f32 v18, v14;
	v14 =	vld [tilespmem:s20+$0x9BA0];
	v12 =	vadd.f32 v16, v12  }
0x8c: {  	v6 =	vadd.f32 v6, v9;
	v7 =	vadd.f32 v7, v8;
	v8 =	vld [tilespmem:s20+$0x9BB0]  }
0x8d: {  	v9 =	vadd.f32 v17, v11;
	v11 =	vld [tilespmem:s20+$0x9BE0];
	v12 =	vadd.f32 v13, v12  }
0x8e: {  	v4 =	vadd.f32 v4, v6;
	v5 =	vadd.f32 v5, v7;
	v6 =	vld [tilespmem:s20+$0x9BF0];
	s20 =	sshra.s32 s21, $0x2  }
0x8f: {  	v9 =	vadd.f32 v15, v9;
	v7 =	vld [tilespmem:s20+$0x9BC0];
	v10 =	vadd.f32 v10, v12  }
0x90: {  	v4 =	vadd.f32 v2, v4;
	v5 =	vadd.f32 v3, v5;
	v16 =	vld [tilespmem:s20+$0x9BD0]  }
0x91: {  	v9 =	vadd.f32 v14, v9;
	v2 =	vld [tilespmem:s20+$0x9B80];
	v8 =	vadd.f32 v8, v10  }
0x92: {  	v13 =	vadd.f32 v0, v4;
	v15 =	vadd.f32 v1, v5;
	v3 =	vld [tilespmem:s20+$0x9B90]  }
0x93: {  	v14 =	vadd.f32 v11, v9;
	v4 =	vld [tilespmem:s20+$0x9B40];
	v12 =	vadd.f32 v6, v8  }
0x94: {  	v5 =	vld [tilespmem:s20+$0x9B50];
	v0 =	vmov v7  }
0x95: {  	v6 =	vld [tilespmem:s20+$0x9B00];
	v1 =	vmov v16  }
0x96: {  	v7 =	vld [tilespmem:s20+$0x9B10]  }
0x97: {  	v9 =	vld [tilespmem:s20+$0x9AC0]  }
0x98: {  	v8 =	vld [tilespmem:s20+$0x9AD0]  }
0x99: {  	v11 =	vld [tilespmem:s20+$0x9A80]  }
0x9a: {  	v10 =	vld [tilespmem:s20+$0x9A90]  }
.Ltmp1:
0x9b: {  	v17 =	vld [tilespmem:s20+$0x9A40];
	(pc) =	sbr.rel @p0 .LBB2_5-.Ltmp1, $4  }
0x9c: {  	v16 =	vld [tilespmem:s20+$0x9A50]  }
0x9d: {  	v19 =	vld [tilespmem:s20+$0x9A00]  }
0x9e: {  	v20 =	vld [tilespmem:s20+$0x9A10]  }
0x9f: {  	s21 =	sadd.s32 $0x800, s21;
	v18 =	vld [tilespmem:s20+$0x9A20]  }
0xa0: {  	v21 =	vld [tilespmem:s20+$0x9A30]  }
0xa1: {  	v22 =	vld [tilespmem:s20+$0x9A60]  }
0xa2: {  	v23 =	vld [tilespmem:s20+$0x9A70];
	v13 =	vadd.f32 v19, v13  }
0xa3: {  	v47 =	vld [tilespmem:s20+$0x9AA0];
	v15 =	vadd.f32 v20, v15  }
0xa4: {  	v48 =	vld [tilespmem:s20+$0x9AB0];
	v14 =	vadd.f32 v18, v14;
	v13 =	vadd.f32 v17, v13  }
0xa5: {  	v49 =	vld [tilespmem:s20+$0x9AE0];
	v12 =	vadd.f32 v21, v12;
	v15 =	vadd.f32 v16, v15  }
0xa6: {  	v50 =	vld [tilespmem:s20+$0x9AF0];
	v14 =	vadd.f32 v22, v14;
	v11 =	vadd.f32 v11, v13  }
0xa7: {  	v51 =	vld [tilespmem:s20+$0x9B20];
	v12 =	vadd.f32 v23, v12;
	v10 =	vadd.f32 v10, v15  }
0xa8: {  	v52 =	vld [tilespmem:s20+$0x9B30];
	v14 =	vadd.f32 v47, v14;
	v9 =	vadd.f32 v9, v11  }
0xa9: {  	v53 =	vld [tilespmem:s20+$0x9B60];
	v12 =	vadd.f32 v48, v12;
	v8 =	vadd.f32 v8, v10  }
0xaa: {  	v54 =	vld [tilespmem:s20+$0x9B70];
	v14 =	vadd.f32 v49, v14;
	v6 =	vadd.f32 v6, v9  }
0xab: {  	v55 =	vld [tilespmem:s20+$0x9BA0];
	v12 =	vadd.f32 v50, v12;
	v7 =	vadd.f32 v7, v8  }
0xac: {  	v56 =	vld [tilespmem:s20+$0x9BB0];
	v13 =	vadd.f32 v51, v14;
	v4 =	vadd.f32 v4, v6  }
0xad: {  	v57 =	vld [tilespmem:s20+$0x9BE0];
	v12 =	vadd.f32 v52, v12;
	v5 =	vadd.f32 v5, v7  }
0xae: {  	v58 =	vld [tilespmem:s20+$0x9BF0];
	v11 =	vadd.f32 v53, v13;
	v2 =	vadd.f32 v2, v4  }
0xaf: {  	s18 =	sadd.s32 $0x1, s18;
	v59 =	vadd.f32 v54, v12;
	v3 =	vadd.f32 v3, v5  }
0xb0: {  	s19 =	sshll.u32 s19, $0x6;
	p0 =	sne.s32 s18, $0x40;
	v60 =	vadd.f32 v55, v11;
	v0 =	vadd.f32 v0, v2  }
.Ltmp2:
0xb1: {  	s19 =	sand.u32 $0x3FFFFFC0, s19;
	v61 =	vadd.f32 v56, v59;
	v1 =	vadd.f32 v1, v3;
	(pc) =	sbr.rel @p0 .LBB2_2-.Ltmp2, $4  }
0xb2: {  	v62 =	vadd.f32 v57, v60;
	[tilespmem:s19+$0xCC00] =	vst v0  }
0xb3: {  	v63 =	vadd.f32 v58, v61;
	[tilespmem:s19+$0xCC10] =	vst v1  }
0xb4: {  	[tilespmem:s19+$0xCC20] =	vst v62  }
0xb5: {  	[tilespmem:s19+$0xCC30] =	vst v63  }
0xb6: {  	_ =	swait.ge [sflag:s14], $0x1900  }
0xb7: {  	[sflag:s14] =	ssyncset.done $0x0  }
0xb8: {  	[sflag:s14] =	ssyncadd.s32 $0xFFFFE700  }
0xb9: {  	s17 =	sadd.s32 $0x1, s17;
	_ =	swait.ge [sflag:s14], $0x1900  }
0xba: {  	p0 =	sne.s32 s17, s6;
	[sflag:s14] =	ssyncset.done $0x0  }
.Ltmp3:
0xbb: {  	[sflag:s14] =	ssyncadd.s32 $0xFFFFE700;
	(pc) =	sbr.rel @p0 .LBB2_1-.Ltmp3, $4  }
0xbc: {  	[hbm4b:s5+s2] =	stream.linear.scatter [tilespmem:s16], [sflag:$0x3], $0x2000, $0x38;
	[tilespmem:$0xEC00] =	vst v63  }
0xbd: {  	_ =	swait.ge [sflag:s7], $0x2000  }
0xbe: {  	[sflag:s7] =	ssyncset.done $0x0  }
0xbf: {  	[sflag:s7] =	ssyncadd.s32 $0xFFFFE000  }
0xc0: {  	_ =	sfence.sel $0x180000  }
0xc1: {  	[bflag:$0x0] =	sbarrier.arrive $0xFFFF  }
0xc2: {  	p0 =	sne.s32 s0, $0x0;
	_ =	strace $0x90000047  }
0xc3: {  	s0 =	sadd.s32 @!p0 $0x100000, s1;
	[bflag:$0x2] =	sbarrier.arrive $0xFFFF  }
0xc4: {  	[sflag:s0] =	ssyncadd.tile.s32 @!p0 $0x1;
	_ =	shalt  }
.Lfunc_end2:
_tile_overlayer_lowered:
.L_overlay_start_2:
0xc5: {  	(tag) =	ssettag $0x2  }
0xc6: {  	s0 =	rddreg [dreg:$0x0];
	s2 =	stileid.u32  }
0xc7: {  	s1 =	rddreg [dreg:$0x1];
	p0 =	sne.s32 s2, $0x0  }
0xc8: {  	s3 =	rddreg [dreg:$0x2];
	[bflag:$0x3] =	sbarrier.arrive $0xFFFF;
	s2 =	simm.s32 @!p0 $0x1C03  }
0xc9: {  	[timem:s3], [sflag:s2] =	dma.local @!p0 [hbm:s0], s1  }
0xca: {  	s0 =	simm.s32 @!p0 $0x3  }
0xcb: {  	_ =	swait.ge @!p0 [sflag:s0], s1  }
0xcc: {  	s1 =	ssub.s32 @!p0 $0x0, s1;
	[sflag:s0] =	ssyncset.done @!p0 $0x0  }
0xcd: {  	[sflag:s0] =	ssyncadd.s32 @!p0 s1  }
0xce: {  	[bflag:$0x3] =	sbarrier.arrive $0xFFFF  }
0xcf: {  	_ =	shalt  }

</sc_bundles>
